<compile_context>
chip_gen: v7x
topology: tpu7x:2x2x1
jax: 0.10.2.dev20260603
libtpu: 0.0.44.dev20260713+nightly
codegen_flags: <defaults>
</compile_context>

<pallas_src>
import jax
import jax.numpy as jnp
import numpy as np
from jax import lax
from jax.experimental import pallas as pl
from jax.experimental.pallas import tpu as pltpu
from jax.experimental.pallas import tpu_sc as plsc

NPTS = 100
TAB = NPTS * NPTS
NC, NS, L = 2, 16, 16
NW = NC * NS
CHUNK = 4000
TWO23 = np.float32(8388608.0)
MAGIC = np.float32(8388607.5)
KADD = np.int32(1761607680)


def _body(z_hbm, t_hbm, ctab_hbm, out_hbm,
          ctab_v, z_v, t_v, o_v,
          isem0, isem1, osem0, osem1, tabsem):
    n = z_hbm.shape[0]
    nchunks = n // CHUNK
    jmax = (nchunks + NW - 1) // NW
    isems = (isem0, isem1)
    osems = (osem0, osem1)
    wid = lax.axis_index("s") * NC + lax.axis_index("c")
    tab_copy = pltpu.make_async_copy(ctab_hbm, ctab_v, tabsem)
    tab_copy.start()

    def in_copies(j, b):
        k = wid + j * NW
        off = k * CHUNK
        return (
            pltpu.make_async_copy(z_hbm.at[pl.ds(off, CHUNK)],
                                  z_v.at[pl.ds(b * CHUNK, CHUNK)], isems[b]),
            pltpu.make_async_copy(t_hbm.at[pl.ds(off, CHUNK)],
                                  t_v.at[pl.ds(b * CHUNK, CHUNK)], isems[b]),
        )

    def out_copy(j, b):
        k = wid + j * NW
        off = k * CHUNK
        return pltpu.make_async_copy(o_v.at[pl.ds(b * CHUNK, CHUNK)],
                                     out_hbm.at[pl.ds(off, CHUNK)], osems[b])

    @pl.when(wid < nchunks)
    def _prime():
        for c in in_copies(0, 0):
            c.start()

    tab_copy.wait()

    @pl.loop(0, jmax, step=2)
    def _pair(j0):
        for b in range(2):
            j = j0 + b
            k = wid + j * NW

            @pl.when(k < nchunks)
            def _chunk():
                @pl.when(k + NW < nchunks)
                def _():
                    for c in in_copies(j + 1, 1 - b):
                        c.start()

                for c in in_copies(j, b):
                    c.wait()

                @pl.when(j >= 2)
                def _():
                    out_copy(j - 2, b).wait()

                boff = b * CHUNK

                @plsc.parallel_loop(0, CHUNK // L, unroll=2)
                def _vec(i):
                    s = boff + i * L
                    t = t_v[pl.ds(s, L)]
                    z = z_v[pl.ds(s, L)]
                    ut = t * 10.0
                    uz = z * 100.0
                    yt = ut + MAGIC
                    yz = uz + MAGIC
                    ft = ut - (yt - TWO23)
                    fz = uz - (yz - TWO23)
                    base = (plsc.bitcast(yt, jnp.int32) * NPTS
                            + plsc.bitcast(yz, jnp.int32) + KADD)
                    c00 = plsc.load_gather(ctab_v.at[pl.ds(0, TAB)], [base])
                    c01 = plsc.load_gather(ctab_v.at[pl.ds(TAB, TAB)], [base])
                    c10 = plsc.load_gather(ctab_v.at[pl.ds(2 * TAB, TAB)], [base])
                    c11 = plsc.load_gather(ctab_v.at[pl.ds(3 * TAB, TAB)], [base])
                    o_v[pl.ds(s, L)] = c00 + c01 * fz + (c10 + c11 * fz) * ft

                out_copy(j, b).start()

    jw = (nchunks - wid + NW - 1) // NW

    @pl.when(jw >= 1)
    def _():
        out_copy(0, 0).wait()

    @pl.when(jw >= 2)
    def _():
        out_copy(1, 1).wait()


def kernel(Z, T, flux_table):
    n = Z.shape[0]
    ext = jnp.pad(flux_table, ((1, 0), (1, 0)), mode="edge")
    a = ext[:NPTS, :NPTS].reshape(-1)
    bq = ext[:NPTS, 1:].reshape(-1)
    cq = ext[1:, :NPTS].reshape(-1)
    dq = ext[1:, 1:].reshape(-1)
    c00 = a
    c01 = bq - a
    c10 = cq - a
    c11 = (dq - cq) - (bq - a)
    ctab = jnp.concatenate([c00, c01, c10, c11])

    mesh = plsc.VectorSubcoreMesh(core_axis_name="c", subcore_axis_name="s")
    f = pl.kernel(
        _body,
        out_type=jax.ShapeDtypeStruct((n,), jnp.float32),
        mesh=mesh,
        compiler_params=pltpu.CompilerParams(needs_layout_passes=False),
        scratch_types=[
            pltpu.VMEM((4 * TAB,), jnp.float32),
            pltpu.VMEM((2 * CHUNK,), jnp.float32),
            pltpu.VMEM((2 * CHUNK,), jnp.float32),
            pltpu.VMEM((2 * CHUNK,), jnp.float32),
            pltpu.SemaphoreType.DMA,
            pltpu.SemaphoreType.DMA,
            pltpu.SemaphoreType.DMA,
            pltpu.SemaphoreType.DMA,
            pltpu.SemaphoreType.DMA,
        ],
    )
    return f(Z, T, ctab)

# --- scband reference (transcript-rebuilt; emitter-appended) ---
"""Pipeline reference for scband-apecemissivity-84353157693587 (READ-ONLY COPY).

The authoritative reference and input builder live on the scoring server;
editing this copy changes nothing except your own understanding.
"""

import jax, jax.numpy as jnp
import numpy as np

N = 4000000

def setup_inputs(seed: int = 0):
    key = jax.random.key(seed)
    k1, k2, k3 = jax.random.split(key, 3)
    # Keep values strictly inside the interpolation grid to avoid the
    # clamped-index divide-by-zero at the upper table edge.
    T = 0.1 + 9.7 * jax.random.uniform(k1, (N,), dtype=jnp.float32)
    Z = 0.01 + 0.97 * jax.random.uniform(k2, (N,), dtype=jnp.float32)
    # Loaded APEC flux table (stands in for jnp.load(...).reshape(100,100).T)
    flux_table = jax.random.uniform(k3, (100, 100), dtype=jnp.float32)
    return {"Z": Z, "T": T, "flux_table": flux_table}

def reference(Z, T, flux_table):
    Npts = 100
    T_table = jnp.linspace(0.1, 10, Npts)
    Z_table = jnp.linspace(0.01, 1, Npts)
    idxT = jnp.searchsorted(T_table, T, 'right')
    idxZ = jnp.searchsorted(Z_table, Z, 'right')
    T_coord = (T - T_table[idxT]) / (T_table[idxT + 1] - T_table[idxT]) + idxT
    Z_coord = (Z - Z_table[idxZ]) / (Z_table[idxZ + 1] - Z_table[idxZ]) + idxZ
    coordinates = jnp.stack([T_coord, Z_coord])
    interp = jax.scipy.ndimage.map_coordinates(flux_table, coordinates, order=1, cval=0.0)
    return interp

if __name__ == "__main__":
    import jax
    _d = setup_inputs()
    print(jax.jit(kernel)(*tuple(_d.values())))

</pallas_src>

<mosaic_0001>
#map = affine_map<(d0, d1) -> (0)>
module attributes {stable_mosaic.version = 14 : i64} {
  func.func @_body(%arg0: i32, %arg1: i32, %arg2: memref<4000000xf32, #tpu.memory_space<hbm>>, %arg3: memref<4000000xf32, #tpu.memory_space<hbm>>, %arg4: memref<40000xf32, #tpu.memory_space<hbm>>, %arg5: memref<4000000xf32, #tpu.memory_space<hbm>>, %arg6: memref<40000xf32, #tpu.memory_space<vmem>>, %arg7: memref<8000xf32, #tpu.memory_space<vmem>>, %arg8: memref<8000xf32, #tpu.memory_space<vmem>>, %arg9: memref<8000xf32, #tpu.memory_space<vmem>>, %arg10: memref<!tpu.dma_semaphore, #tpu.memory_space<semaphore_mem>>, %arg11: memref<!tpu.dma_semaphore, #tpu.memory_space<semaphore_mem>>, %arg12: memref<!tpu.dma_semaphore, #tpu.memory_space<semaphore_mem>>, %arg13: memref<!tpu.dma_semaphore, #tpu.memory_space<semaphore_mem>>, %arg14: memref<!tpu.dma_semaphore, #tpu.memory_space<semaphore_mem>>) attributes {dimension_semantics = [#tpu.dimension_semantics<core_parallel>, #tpu.dimension_semantics<subcore_parallel>], iteration_bounds = array<i64: 2, 16>, scalar_prefetch = 0 : i64, scratch_operands = 9 : i64, tpu.core_type = #tpu.core_type<sc_vector_subcore>, window_params = [{transform_indices = #map}, {transform_indices = #map}, {transform_indices = #map}, {transform_indices = #map}]} {
    %mul3A = arith.constant 2 : i32
    %mul3A_0 = arith.muli %arg1, %mul3A : i32
    %add3A = arith.addi %mul3A_0, %arg0 : i32
    tpu.enqueue_dma source(%arg4 : memref<40000xf32, #tpu.memory_space<hbm>>) target(%arg6 : memref<40000xf32, #tpu.memory_space<vmem>>) target_semaphore(%arg14 : memref<!tpu.dma_semaphore, #tpu.memory_space<semaphore_mem>>)
    %lt3A = arith.constant 1000 : i32
    %lt3A_1 = arith.cmpi slt, %add3A, %lt3A : i32
    %convert_element_type3A = arith.extui %lt3A_1 : i1 to i32
    %cond3A = arith.constant 0 : i32
    %cond3A_2 = arith.cmpi ne, %convert_element_type3A, %cond3A : i32
    scf.if %cond3A_2 {
      %add3A_38 = arith.constant 0 : i32
      %add3A_39 = arith.addi %add3A, %add3A_38 : i32
      %mul3A_40 = arith.constant 4000 : i32
      %mul3A_41 = arith.muli %add3A_39, %mul3A_40 : i32
      %dma_start3A = arith.constant 0 : i32
      %dma_start3A_42 = tpu.memref_slice %arg7[%dma_start3A] : memref<8000xf32, #tpu.memory_space<vmem>> -> memref<4000xf32, #tpu.memory_space<vmem>>
      %dma_start3A_43 = tpu.memref_slice %arg2[%mul3A_41] : memref<4000000xf32, #tpu.memory_space<hbm>> -> memref<4000xf32, #tpu.memory_space<hbm>>
      %dma_start3A_44 = arith.constant 0 : i32
      %dma_start3A_45 = tpu.memref_slice %arg7[%dma_start3A_44] : memref<8000xf32, #tpu.memory_space<vmem>> -> memref<4000xf32, #tpu.memory_space<vmem>>
      %dma_start3A_46 = tpu.memref_slice %arg2[%mul3A_41] : memref<4000000xf32, #tpu.memory_space<hbm>> -> memref<4000xf32, #tpu.memory_space<hbm>>
      tpu.enqueue_dma source(%dma_start3A_46 : memref<4000xf32, #tpu.memory_space<hbm>>) target(%dma_start3A_45 : memref<4000xf32, #tpu.memory_space<vmem>>) target_semaphore(%arg10 : memref<!tpu.dma_semaphore, #tpu.memory_space<semaphore_mem>>)
      %dma_start3A_47 = arith.constant 0 : i32
      %dma_start3A_48 = tpu.memref_slice %arg8[%dma_start3A_47] : memref<8000xf32, #tpu.memory_space<vmem>> -> memref<4000xf32, #tpu.memory_space<vmem>>
      %dma_start3A_49 = tpu.memref_slice %arg3[%mul3A_41] : memref<4000000xf32, #tpu.memory_space<hbm>> -> memref<4000xf32, #tpu.memory_space<hbm>>
      %dma_start3A_50 = arith.constant 0 : i32
      %dma_start3A_51 = tpu.memref_slice %arg8[%dma_start3A_50] : memref<8000xf32, #tpu.memory_space<vmem>> -> memref<4000xf32, #tpu.memory_space<vmem>>
      %dma_start3A_52 = tpu.memref_slice %arg3[%mul3A_41] : memref<4000000xf32, #tpu.memory_space<hbm>> -> memref<4000xf32, #tpu.memory_space<hbm>>
      tpu.enqueue_dma source(%dma_start3A_52 : memref<4000xf32, #tpu.memory_space<hbm>>) target(%dma_start3A_51 : memref<4000xf32, #tpu.memory_space<vmem>>) target_semaphore(%arg10 : memref<!tpu.dma_semaphore, #tpu.memory_space<semaphore_mem>>)
    } else {
    }
    tpu.wait_dma2 semaphore(%arg14 : memref<!tpu.dma_semaphore, #tpu.memory_space<semaphore_mem>>) src(%arg4 : memref<40000xf32, #tpu.memory_space<hbm>>) dst(%arg6 : memref<40000xf32, #tpu.memory_space<vmem>>)
    %scan3A = arith.constant 0 : i32
    %scan3A_3 = arith.constant 16 : i32
    %scan3A_4 = arith.addi %scan3A, %scan3A_3 : i32
    %scan3A_5 = arith.constant 1 : i32
    scf.for %scan3A_38 = %scan3A to %scan3A_4 step %scan3A_5  : i32 {
      %mul3A_39 = arith.constant 2 : i32
      %mul3A_40 = arith.muli %scan3A_38, %mul3A_39 : i32
      %add3A_41 = arith.constant 0 : i32
      %add3A_42 = arith.addi %add3A_41, %mul3A_40 : i32
      %add3A_43 = arith.constant 0 : i32
      %add3A_44 = arith.addi %add3A_42, %add3A_43 : i32
      %mul3A_45 = arith.constant 32 : i32
      %mul3A_46 = arith.muli %add3A_44, %mul3A_45 : i32
      %add3A_47 = arith.addi %add3A, %mul3A_46 : i32
      %lt3A_48 = arith.constant 1000 : i32
      %lt3A_49 = arith.cmpi slt, %add3A_47, %lt3A_48 : i32
      %convert_element_type3A_50 = arith.extui %lt3A_49 : i1 to i32
      %cond3A_51 = arith.constant 0 : i32
      %cond3A_52 = arith.cmpi ne, %convert_element_type3A_50, %cond3A_51 : i32
      scf.if %cond3A_52 {
        %add3A_63 = arith.constant 32 : i32
        %add3A_64 = arith.addi %add3A_47, %add3A_63 : i32
        %lt3A_65 = arith.constant 1000 : i32
        %lt3A_66 = arith.cmpi slt, %add3A_64, %lt3A_65 : i32
        %convert_element_type3A_67 = arith.extui %lt3A_66 : i1 to i32
        %cond3A_68 = arith.constant 0 : i32
        %cond3A_69 = arith.cmpi ne, %convert_element_type3A_67, %cond3A_68 : i32
        scf.if %cond3A_69 {
          %add3A_103 = arith.constant 1 : i32
          %add3A_104 = arith.addi %add3A_44, %add3A_103 : i32
          %mul3A_105 = arith.constant 32 : i32
          %mul3A_106 = arith.muli %add3A_104, %mul3A_105 : i32
          %add3A_107 = arith.addi %add3A, %mul3A_106 : i32
          %mul3A_108 = arith.constant 4000 : i32
          %mul3A_109 = arith.muli %add3A_107, %mul3A_108 : i32
          %dma_start3A_110 = arith.constant 4000 : i32
          %dma_start3A_111 = tpu.memref_slice %arg7[%dma_start3A_110] : memref<8000xf32, #tpu.memory_space<vmem>> -> memref<4000xf32, #tpu.memory_space<vmem>>
          %dma_start3A_112 = tpu.memref_slice %arg2[%mul3A_109] : memref<4000000xf32, #tpu.memory_space<hbm>> -> memref<4000xf32, #tpu.memory_space<hbm>>
          %dma_start3A_113 = arith.constant 4000 : i32
          %dma_start3A_114 = tpu.memref_slice %arg7[%dma_start3A_113] : memref<8000xf32, #tpu.memory_space<vmem>> -> memref<4000xf32, #tpu.memory_space<vmem>>
          %dma_start3A_115 = tpu.memref_slice %arg2[%mul3A_109] : memref<4000000xf32, #tpu.memory_space<hbm>> -> memref<4000xf32, #tpu.memory_space<hbm>>
          tpu.enqueue_dma source(%dma_start3A_115 : memref<4000xf32, #tpu.memory_space<hbm>>) target(%dma_start3A_114 : memref<4000xf32, #tpu.memory_space<vmem>>) target_semaphore(%arg11 : memref<!tpu.dma_semaphore, #tpu.memory_space<semaphore_mem>>)
          %dma_start3A_116 = arith.constant 4000 : i32
          %dma_start3A_117 = tpu.memref_slice %arg8[%dma_start3A_116] : memref<8000xf32, #tpu.memory_space<vmem>> -> memref<4000xf32, #tpu.memory_space<vmem>>
          %dma_start3A_118 = tpu.memref_slice %arg3[%mul3A_109] : memref<4000000xf32, #tpu.memory_space<hbm>> -> memref<4000xf32, #tpu.memory_space<hbm>>
          %dma_start3A_119 = arith.constant 4000 : i32
          %dma_start3A_120 = tpu.memref_slice %arg8[%dma_start3A_119] : memref<8000xf32, #tpu.memory_space<vmem>> -> memref<4000xf32, #tpu.memory_space<vmem>>
          %dma_start3A_121 = tpu.memref_slice %arg3[%mul3A_109] : memref<4000000xf32, #tpu.memory_space<hbm>> -> memref<4000xf32, #tpu.memory_space<hbm>>
          tpu.enqueue_dma source(%dma_start3A_121 : memref<4000xf32, #tpu.memory_space<hbm>>) target(%dma_start3A_120 : memref<4000xf32, #tpu.memory_space<vmem>>) target_semaphore(%arg11 : memref<!tpu.dma_semaphore, #tpu.memory_space<semaphore_mem>>)
        } else {
        }
        %mul3A_70 = arith.constant 32 : i32
        %mul3A_71 = arith.muli %add3A_44, %mul3A_70 : i32
        %add3A_72 = arith.addi %add3A, %mul3A_71 : i32
        %mul3A_73 = arith.constant 4000 : i32
        %mul3A_74 = arith.muli %add3A_72, %mul3A_73 : i32
        %dma_wait3A = arith.constant 0 : i32
        %dma_wait3A_75 = tpu.memref_slice %arg7[%dma_wait3A] : memref<8000xf32, #tpu.memory_space<vmem>> -> memref<4000xf32, #tpu.memory_space<vmem>>
        %dma_wait3A_76 = tpu.memref_slice %arg2[%mul3A_74] : memref<4000000xf32, #tpu.memory_space<hbm>> -> memref<4000xf32, #tpu.memory_space<hbm>>
        %dma_wait3A_77 = arith.constant 0 : i32
        %dma_wait3A_78 = tpu.memref_slice %arg7[%dma_wait3A_77] : memref<8000xf32, #tpu.memory_space<vmem>> -> memref<4000xf32, #tpu.memory_space<vmem>>
        %dma_wait3A_79 = tpu.memref_slice %arg2[%mul3A_74] : memref<4000000xf32, #tpu.memory_space<hbm>> -> memref<4000xf32, #tpu.memory_space<hbm>>
        tpu.wait_dma2 semaphore(%arg10 : memref<!tpu.dma_semaphore, #tpu.memory_space<semaphore_mem>>) src(%dma_wait3A_79 : memref<4000xf32, #tpu.memory_space<hbm>>) dst(%dma_wait3A_78 : memref<4000xf32, #tpu.memory_space<vmem>>)
        %dma_wait3A_80 = arith.constant 0 : i32
        %dma_wait3A_81 = tpu.memref_slice %arg8[%dma_wait3A_80] : memref<8000xf32, #tpu.memory_space<vmem>> -> memref<4000xf32, #tpu.memory_space<vmem>>
        %dma_wait3A_82 = tpu.memref_slice %arg3[%mul3A_74] : memref<4000000xf32, #tpu.memory_space<hbm>> -> memref<4000xf32, #tpu.memory_space<hbm>>
        %dma_wait3A_83 = arith.constant 0 : i32
        %dma_wait3A_84 = tpu.memref_slice %arg8[%dma_wait3A_83] : memref<8000xf32, #tpu.memory_space<vmem>> -> memref<4000xf32, #tpu.memory_space<vmem>>
        %dma_wait3A_85 = tpu.memref_slice %arg3[%mul3A_74] : memref<4000000xf32, #tpu.memory_space<hbm>> -> memref<4000xf32, #tpu.memory_space<hbm>>
        tpu.wait_dma2 semaphore(%arg10 : memref<!tpu.dma_semaphore, #tpu.memory_space<semaphore_mem>>) src(%dma_wait3A_85 : memref<4000xf32, #tpu.memory_space<hbm>>) dst(%dma_wait3A_84 : memref<4000xf32, #tpu.memory_space<vmem>>)
        %ge3A_86 = arith.constant 2 : i32
        %ge3A_87 = arith.cmpi sge, %add3A_44, %ge3A_86 : i32
        %convert_element_type3A_88 = arith.extui %ge3A_87 : i1 to i32
        %cond3A_89 = arith.constant 0 : i32
        %cond3A_90 = arith.cmpi ne, %convert_element_type3A_88, %cond3A_89 : i32
        scf.if %cond3A_90 {
          %sub3A_103 = arith.constant 2 : i32
          %sub3A_104 = arith.subi %add3A_44, %sub3A_103 : i32
          %mul3A_105 = arith.constant 32 : i32
          %mul3A_106 = arith.muli %sub3A_104, %mul3A_105 : i32
          %add3A_107 = arith.addi %add3A, %mul3A_106 : i32
          %mul3A_108 = arith.constant 4000 : i32
          %mul3A_109 = arith.muli %add3A_107, %mul3A_108 : i32
          %dma_wait3A_110 = arith.constant 0 : i32
          %dma_wait3A_111 = tpu.memref_slice %arg9[%dma_wait3A_110] : memref<8000xf32, #tpu.memory_space<vmem>> -> memref<4000xf32, #tpu.memory_space<vmem>>
          %dma_wait3A_112 = tpu.memref_slice %arg5[%mul3A_109] : memref<4000000xf32, #tpu.memory_space<hbm>> -> memref<4000xf32, #tpu.memory_space<hbm>>
          %dma_wait3A_113 = tpu.memref_slice %arg5[%mul3A_109] : memref<4000000xf32, #tpu.memory_space<hbm>> -> memref<4000xf32, #tpu.memory_space<hbm>>
          %dma_wait3A_114 = arith.constant 0 : i32
          %dma_wait3A_115 = tpu.memref_slice %arg9[%dma_wait3A_114] : memref<8000xf32, #tpu.memory_space<vmem>> -> memref<4000xf32, #tpu.memory_space<vmem>>
          tpu.wait_dma2 semaphore(%arg12 : memref<!tpu.dma_semaphore, #tpu.memory_space<semaphore_mem>>) src(%dma_wait3A_115 : memref<4000xf32, #tpu.memory_space<vmem>>) dst(%dma_wait3A_113 : memref<4000xf32, #tpu.memory_space<hbm>>)
        } else {
        }
        %parallel_loop3A = arith.constant 0 : i32
        %parallel_loop3A_91 = arith.constant 250 : i32
        %parallel_loop3A_92 = arith.constant 1 : i32
        scf.for %parallel_loop3A_103 = %parallel_loop3A to %parallel_loop3A_91 step %parallel_loop3A_92  : i32 {
          %parallel_loop3A_104 = arith.constant 16 : i32
          %parallel_loop3A_105 = arith.muli %parallel_loop3A_103, %parallel_loop3A_104 : i32
          %parallel_loop3A_106 = arith.constant 0 : i32
          %parallel_loop3A_107 = arith.addi %parallel_loop3A_106, %parallel_loop3A_105 : i32
          %parallel_loop3A_108 = arith.index_cast %parallel_loop3A_107 : i32 to index
          %parallel_loop3A_109 = tpu.vector_load %arg8[%parallel_loop3A_108] {strides = array<i32>} : memref<8000xf32, #tpu.memory_space<vmem>>, vector<16xf32>,
          %parallel_loop3A_110 = arith.index_cast %parallel_loop3A_107 : i32 to index
          %parallel_loop3A_111 = tpu.vector_load %arg7[%parallel_loop3A_110] {strides = array<i32>} : memref<8000xf32, #tpu.memory_space<vmem>>, vector<16xf32>,
          %parallel_loop3A_112 = arith.constant 1.000000e+01 : f32
          %parallel_loop3A_113 = vector.broadcast %parallel_loop3A_112 : f32 to vector<16xf32>
          %parallel_loop3A_114 = arith.mulf %parallel_loop3A_109, %parallel_loop3A_113 : vector<16xf32>
          %parallel_loop3A_115 = arith.constant 1.000000e+02 : f32
          %parallel_loop3A_116 = vector.broadcast %parallel_loop3A_115 : f32 to vector<16xf32>
          %parallel_loop3A_117 = arith.mulf %parallel_loop3A_111, %parallel_loop3A_116 : vector<16xf32>
          %parallel_loop3A_118 = arith.constant 8388607.5 : f32
          %parallel_loop3A_119 = vector.broadcast %parallel_loop3A_118 : f32 to vector<16xf32>
          %parallel_loop3A_120 = arith.addf %parallel_loop3A_114, %parallel_loop3A_119 : vector<16xf32>
          %parallel_loop3A_121 = arith.constant 8388607.5 : f32
          %parallel_loop3A_122 = vector.broadcast %parallel_loop3A_121 : f32 to vector<16xf32>
          %parallel_loop3A_123 = arith.addf %parallel_loop3A_117, %parallel_loop3A_122 : vector<16xf32>
          %parallel_loop3A_124 = arith.constant 0x4B000000 : f32
          %parallel_loop3A_125 = vector.broadcast %parallel_loop3A_124 : f32 to vector<16xf32>
          %parallel_loop3A_126 = arith.subf %parallel_loop3A_120, %parallel_loop3A_125 : vector<16xf32>
          %parallel_loop3A_127 = arith.subf %parallel_loop3A_114, %parallel_loop3A_126 : vector<16xf32>
          %parallel_loop3A_128 = arith.constant 0x4B000000 : f32
          %parallel_loop3A_129 = vector.broadcast %parallel_loop3A_128 : f32 to vector<16xf32>
          %parallel_loop3A_130 = arith.subf %parallel_loop3A_123, %parallel_loop3A_129 : vector<16xf32>
          %parallel_loop3A_131 = arith.subf %parallel_loop3A_117, %parallel_loop3A_130 : vector<16xf32>
          %parallel_loop3A_132 = vector.bitcast %parallel_loop3A_120 : vector<16xf32> to vector<16xi32>
          %parallel_loop3A_133 = arith.constant 100 : i32
          %parallel_loop3A_134 = vector.broadcast %parallel_loop3A_133 : i32 to vector<16xi32>
          %parallel_loop3A_135 = arith.muli %parallel_loop3A_132, %parallel_loop3A_134 : vector<16xi32>
          %parallel_loop3A_136 = vector.bitcast %parallel_loop3A_123 : vector<16xf32> to vector<16xi32>
          %parallel_loop3A_137 = arith.addi %parallel_loop3A_135, %parallel_loop3A_136 : vector<16xi32>
          %parallel_loop3A_138 = arith.constant 1761607680 : i32
          %parallel_loop3A_139 = vector.broadcast %parallel_loop3A_138 : i32 to vector<16xi32>
          %parallel_loop3A_140 = arith.addi %parallel_loop3A_137, %parallel_loop3A_139 : vector<16xi32>
          %parallel_loop3A_141 = arith.constant 0 : i32
          %parallel_loop3A_142 = tpu.memref_slice %arg6[%parallel_loop3A_141] : memref<40000xf32, #tpu.memory_space<vmem>> -> memref<10000xf32, #tpu.memory_space<vmem>>
          %parallel_loop3A_143 = tpu.vector_load_idx %parallel_loop3A_142[%parallel_loop3A_140] : memref<10000xf32, #tpu.memory_space<vmem>>[vector<16xi32>], vector<16xf32>,
          %parallel_loop3A_144 = arith.constant 10000 : i32
          %parallel_loop3A_145 = tpu.memref_slice %arg6[%parallel_loop3A_144] : memref<40000xf32, #tpu.memory_space<vmem>> -> memref<10000xf32, #tpu.memory_space<vmem>>
          %parallel_loop3A_146 = tpu.vector_load_idx %parallel_loop3A_145[%parallel_loop3A_140] : memref<10000xf32, #tpu.memory_space<vmem>>[vector<16xi32>], vector<16xf32>,
          %parallel_loop3A_147 = arith.constant 20000 : i32
          %parallel_loop3A_148 = tpu.memref_slice %arg6[%parallel_loop3A_147] : memref<40000xf32, #tpu.memory_space<vmem>> -> memref<10000xf32, #tpu.memory_space<vmem>>
          %parallel_loop3A_149 = tpu.vector_load_idx %parallel_loop3A_148[%parallel_loop3A_140] : memref<10000xf32, #tpu.memory_space<vmem>>[vector<16xi32>], vector<16xf32>,
          %parallel_loop3A_150 = arith.constant 30000 : i32
          %parallel_loop3A_151 = tpu.memref_slice %arg6[%parallel_loop3A_150] : memref<40000xf32, #tpu.memory_space<vmem>> -> memref<10000xf32, #tpu.memory_space<vmem>>
          %parallel_loop3A_152 = tpu.vector_load_idx %parallel_loop3A_151[%parallel_loop3A_140] : memref<10000xf32, #tpu.memory_space<vmem>>[vector<16xi32>], vector<16xf32>,
          %parallel_loop3A_153 = arith.mulf %parallel_loop3A_146, %parallel_loop3A_131 : vector<16xf32>
          %parallel_loop3A_154 = arith.addf %parallel_loop3A_143, %parallel_loop3A_153 : vector<16xf32>
          %parallel_loop3A_155 = arith.mulf %parallel_loop3A_152, %parallel_loop3A_131 : vector<16xf32>
          %parallel_loop3A_156 = arith.addf %parallel_loop3A_149, %parallel_loop3A_155 : vector<16xf32>
          %parallel_loop3A_157 = arith.mulf %parallel_loop3A_156, %parallel_loop3A_127 : vector<16xf32>
          %parallel_loop3A_158 = arith.addf %parallel_loop3A_154, %parallel_loop3A_157 : vector<16xf32>
          %parallel_loop3A_159 = arith.index_cast %parallel_loop3A_107 : i32 to index
          %parallel_loop3A_160 = tpu.vector_load %arg9[%parallel_loop3A_159] {strides = array<i32>} : memref<8000xf32, #tpu.memory_space<vmem>>, vector<16xf32>,
          tpu.vector_store %arg9[%parallel_loop3A_159], %parallel_loop3A_158 {strides = array<i32>} : memref<8000xf32, #tpu.memory_space<vmem>>, vector<16xf32>,
        } {sc.loop_unroll_factor = 2 : i64, sc.parallel_access}
        %mul3A_93 = arith.constant 32 : i32
        %mul3A_94 = arith.muli %add3A_44, %mul3A_93 : i32
        %add3A_95 = arith.addi %add3A, %mul3A_94 : i32
        %mul3A_96 = arith.constant 4000 : i32
        %mul3A_97 = arith.muli %add3A_95, %mul3A_96 : i32
        %dma_start3A = arith.constant 0 : i32
        %dma_start3A_98 = tpu.memref_slice %arg9[%dma_start3A] : memref<8000xf32, #tpu.memory_space<vmem>> -> memref<4000xf32, #tpu.memory_space<vmem>>
        %dma_start3A_99 = tpu.memref_slice %arg5[%mul3A_97] : memref<4000000xf32, #tpu.memory_space<hbm>> -> memref<4000xf32, #tpu.memory_space<hbm>>
        %dma_start3A_100 = tpu.memref_slice %arg5[%mul3A_97] : memref<4000000xf32, #tpu.memory_space<hbm>> -> memref<4000xf32, #tpu.memory_space<hbm>>
        %dma_start3A_101 = arith.constant 0 : i32
        %dma_start3A_102 = tpu.memref_slice %arg9[%dma_start3A_101] : memref<8000xf32, #tpu.memory_space<vmem>> -> memref<4000xf32, #tpu.memory_space<vmem>>
        tpu.enqueue_dma source(%dma_start3A_102 : memref<4000xf32, #tpu.memory_space<vmem>>) target(%dma_start3A_100 : memref<4000xf32, #tpu.memory_space<hbm>>) target_semaphore(%arg12 : memref<!tpu.dma_semaphore, #tpu.memory_space<semaphore_mem>>)
      } else {
      }
      %add3A_53 = arith.constant 1 : i32
      %add3A_54 = arith.addi %add3A_42, %add3A_53 : i32
      %mul3A_55 = arith.constant 32 : i32
      %mul3A_56 = arith.muli %add3A_54, %mul3A_55 : i32
      %add3A_57 = arith.addi %add3A, %mul3A_56 : i32
      %lt3A_58 = arith.constant 1000 : i32
      %lt3A_59 = arith.cmpi slt, %add3A_57, %lt3A_58 : i32
      %convert_element_type3A_60 = arith.extui %lt3A_59 : i1 to i32
      %cond3A_61 = arith.constant 0 : i32
      %cond3A_62 = arith.cmpi ne, %convert_element_type3A_60, %cond3A_61 : i32
      scf.if %cond3A_62 {
        %add3A_63 = arith.constant 32 : i32
        %add3A_64 = arith.addi %add3A_57, %add3A_63 : i32
        %lt3A_65 = arith.constant 1000 : i32
        %lt3A_66 = arith.cmpi slt, %add3A_64, %lt3A_65 : i32
        %convert_element_type3A_67 = arith.extui %lt3A_66 : i1 to i32
        %cond3A_68 = arith.constant 0 : i32
        %cond3A_69 = arith.cmpi ne, %convert_element_type3A_67, %cond3A_68 : i32
        scf.if %cond3A_69 {
          %add3A_103 = arith.constant 1 : i32
          %add3A_104 = arith.addi %add3A_54, %add3A_103 : i32
          %mul3A_105 = arith.constant 32 : i32
          %mul3A_106 = arith.muli %add3A_104, %mul3A_105 : i32
          %add3A_107 = arith.addi %add3A, %mul3A_106 : i32
          %mul3A_108 = arith.constant 4000 : i32
          %mul3A_109 = arith.muli %add3A_107, %mul3A_108 : i32
          %dma_start3A_110 = arith.constant 0 : i32
          %dma_start3A_111 = tpu.memref_slice %arg7[%dma_start3A_110] : memref<8000xf32, #tpu.memory_space<vmem>> -> memref<4000xf32, #tpu.memory_space<vmem>>
          %dma_start3A_112 = tpu.memref_slice %arg2[%mul3A_109] : memref<4000000xf32, #tpu.memory_space<hbm>> -> memref<4000xf32, #tpu.memory_space<hbm>>
          %dma_start3A_113 = arith.constant 0 : i32
          %dma_start3A_114 = tpu.memref_slice %arg7[%dma_start3A_113] : memref<8000xf32, #tpu.memory_space<vmem>> -> memref<4000xf32, #tpu.memory_space<vmem>>
          %dma_start3A_115 = tpu.memref_slice %arg2[%mul3A_109] : memref<4000000xf32, #tpu.memory_space<hbm>> -> memref<4000xf32, #tpu.memory_space<hbm>>
          tpu.enqueue_dma source(%dma_start3A_115 : memref<4000xf32, #tpu.memory_space<hbm>>) target(%dma_start3A_114 : memref<4000xf32, #tpu.memory_space<vmem>>) target_semaphore(%arg10 : memref<!tpu.dma_semaphore, #tpu.memory_space<semaphore_mem>>)
          %dma_start3A_116 = arith.constant 0 : i32
          %dma_start3A_117 = tpu.memref_slice %arg8[%dma_start3A_116] : memref<8000xf32, #tpu.memory_space<vmem>> -> memref<4000xf32, #tpu.memory_space<vmem>>
          %dma_start3A_118 = tpu.memref_slice %arg3[%mul3A_109] : memref<4000000xf32, #tpu.memory_space<hbm>> -> memref<4000xf32, #tpu.memory_space<hbm>>
          %dma_start3A_119 = arith.constant 0 : i32
          %dma_start3A_120 = tpu.memref_slice %arg8[%dma_start3A_119] : memref<8000xf32, #tpu.memory_space<vmem>> -> memref<4000xf32, #tpu.memory_space<vmem>>
          %dma_start3A_121 = tpu.memref_slice %arg3[%mul3A_109] : memref<4000000xf32, #tpu.memory_space<hbm>> -> memref<4000xf32, #tpu.memory_space<hbm>>
          tpu.enqueue_dma source(%dma_start3A_121 : memref<4000xf32, #tpu.memory_space<hbm>>) target(%dma_start3A_120 : memref<4000xf32, #tpu.memory_space<vmem>>) target_semaphore(%arg10 : memref<!tpu.dma_semaphore, #tpu.memory_space<semaphore_mem>>)
        } else {
        }
        %mul3A_70 = arith.constant 32 : i32
        %mul3A_71 = arith.muli %add3A_54, %mul3A_70 : i32
        %add3A_72 = arith.addi %add3A, %mul3A_71 : i32
        %mul3A_73 = arith.constant 4000 : i32
        %mul3A_74 = arith.muli %add3A_72, %mul3A_73 : i32
        %dma_wait3A = arith.constant 4000 : i32
        %dma_wait3A_75 = tpu.memref_slice %arg7[%dma_wait3A] : memref<8000xf32, #tpu.memory_space<vmem>> -> memref<4000xf32, #tpu.memory_space<vmem>>
        %dma_wait3A_76 = tpu.memref_slice %arg2[%mul3A_74] : memref<4000000xf32, #tpu.memory_space<hbm>> -> memref<4000xf32, #tpu.memory_space<hbm>>
        %dma_wait3A_77 = arith.constant 4000 : i32
        %dma_wait3A_78 = tpu.memref_slice %arg7[%dma_wait3A_77] : memref<8000xf32, #tpu.memory_space<vmem>> -> memref<4000xf32, #tpu.memory_space<vmem>>
        %dma_wait3A_79 = tpu.memref_slice %arg2[%mul3A_74] : memref<4000000xf32, #tpu.memory_space<hbm>> -> memref<4000xf32, #tpu.memory_space<hbm>>
        tpu.wait_dma2 semaphore(%arg11 : memref<!tpu.dma_semaphore, #tpu.memory_space<semaphore_mem>>) src(%dma_wait3A_79 : memref<4000xf32, #tpu.memory_space<hbm>>) dst(%dma_wait3A_78 : memref<4000xf32, #tpu.memory_space<vmem>>)
        %dma_wait3A_80 = arith.constant 4000 : i32
        %dma_wait3A_81 = tpu.memref_slice %arg8[%dma_wait3A_80] : memref<8000xf32, #tpu.memory_space<vmem>> -> memref<4000xf32, #tpu.memory_space<vmem>>
        %dma_wait3A_82 = tpu.memref_slice %arg3[%mul3A_74] : memref<4000000xf32, #tpu.memory_space<hbm>> -> memref<4000xf32, #tpu.memory_space<hbm>>
        %dma_wait3A_83 = arith.constant 4000 : i32
        %dma_wait3A_84 = tpu.memref_slice %arg8[%dma_wait3A_83] : memref<8000xf32, #tpu.memory_space<vmem>> -> memref<4000xf32, #tpu.memory_space<vmem>>
        %dma_wait3A_85 = tpu.memref_slice %arg3[%mul3A_74] : memref<4000000xf32, #tpu.memory_space<hbm>> -> memref<4000xf32, #tpu.memory_space<hbm>>
        tpu.wait_dma2 semaphore(%arg11 : memref<!tpu.dma_semaphore, #tpu.memory_space<semaphore_mem>>) src(%dma_wait3A_85 : memref<4000xf32, #tpu.memory_space<hbm>>) dst(%dma_wait3A_84 : memref<4000xf32, #tpu.memory_space<vmem>>)
        %ge3A_86 = arith.constant 2 : i32
        %ge3A_87 = arith.cmpi sge, %add3A_54, %ge3A_86 : i32
        %convert_element_type3A_88 = arith.extui %ge3A_87 : i1 to i32
        %cond3A_89 = arith.constant 0 : i32
        %cond3A_90 = arith.cmpi ne, %convert_element_type3A_88, %cond3A_89 : i32
        scf.if %cond3A_90 {
          %sub3A_103 = arith.constant 2 : i32
          %sub3A_104 = arith.subi %add3A_54, %sub3A_103 : i32
          %mul3A_105 = arith.constant 32 : i32
          %mul3A_106 = arith.muli %sub3A_104, %mul3A_105 : i32
          %add3A_107 = arith.addi %add3A, %mul3A_106 : i32
          %mul3A_108 = arith.constant 4000 : i32
          %mul3A_109 = arith.muli %add3A_107, %mul3A_108 : i32
          %dma_wait3A_110 = arith.constant 4000 : i32
          %dma_wait3A_111 = tpu.memref_slice %arg9[%dma_wait3A_110] : memref<8000xf32, #tpu.memory_space<vmem>> -> memref<4000xf32, #tpu.memory_space<vmem>>
          %dma_wait3A_112 = tpu.memref_slice %arg5[%mul3A_109] : memref<4000000xf32, #tpu.memory_space<hbm>> -> memref<4000xf32, #tpu.memory_space<hbm>>
          %dma_wait3A_113 = tpu.memref_slice %arg5[%mul3A_109] : memref<4000000xf32, #tpu.memory_space<hbm>> -> memref<4000xf32, #tpu.memory_space<hbm>>
          %dma_wait3A_114 = arith.constant 4000 : i32
          %dma_wait3A_115 = tpu.memref_slice %arg9[%dma_wait3A_114] : memref<8000xf32, #tpu.memory_space<vmem>> -> memref<4000xf32, #tpu.memory_space<vmem>>
          tpu.wait_dma2 semaphore(%arg13 : memref<!tpu.dma_semaphore, #tpu.memory_space<semaphore_mem>>) src(%dma_wait3A_115 : memref<4000xf32, #tpu.memory_space<vmem>>) dst(%dma_wait3A_113 : memref<4000xf32, #tpu.memory_space<hbm>>)
        } else {
        }
        %parallel_loop3A = arith.constant 0 : i32
        %parallel_loop3A_91 = arith.constant 250 : i32
        %parallel_loop3A_92 = arith.constant 1 : i32
        scf.for %parallel_loop3A_103 = %parallel_loop3A to %parallel_loop3A_91 step %parallel_loop3A_92  : i32 {
          %parallel_loop3A_104 = arith.constant 16 : i32
          %parallel_loop3A_105 = arith.muli %parallel_loop3A_103, %parallel_loop3A_104 : i32
          %parallel_loop3A_106 = arith.constant 4000 : i32
          %parallel_loop3A_107 = arith.addi %parallel_loop3A_106, %parallel_loop3A_105 : i32
          %parallel_loop3A_108 = arith.index_cast %parallel_loop3A_107 : i32 to index
          %parallel_loop3A_109 = tpu.vector_load %arg8[%parallel_loop3A_108] {strides = array<i32>} : memref<8000xf32, #tpu.memory_space<vmem>>, vector<16xf32>,
          %parallel_loop3A_110 = arith.index_cast %parallel_loop3A_107 : i32 to index
          %parallel_loop3A_111 = tpu.vector_load %arg7[%parallel_loop3A_110] {strides = array<i32>} : memref<8000xf32, #tpu.memory_space<vmem>>, vector<16xf32>,
          %parallel_loop3A_112 = arith.constant 1.000000e+01 : f32
          %parallel_loop3A_113 = vector.broadcast %parallel_loop3A_112 : f32 to vector<16xf32>
          %parallel_loop3A_114 = arith.mulf %parallel_loop3A_109, %parallel_loop3A_113 : vector<16xf32>
          %parallel_loop3A_115 = arith.constant 1.000000e+02 : f32
          %parallel_loop3A_116 = vector.broadcast %parallel_loop3A_115 : f32 to vector<16xf32>
          %parallel_loop3A_117 = arith.mulf %parallel_loop3A_111, %parallel_loop3A_116 : vector<16xf32>
          %parallel_loop3A_118 = arith.constant 8388607.5 : f32
          %parallel_loop3A_119 = vector.broadcast %parallel_loop3A_118 : f32 to vector<16xf32>
          %parallel_loop3A_120 = arith.addf %parallel_loop3A_114, %parallel_loop3A_119 : vector<16xf32>
          %parallel_loop3A_121 = arith.constant 8388607.5 : f32
          %parallel_loop3A_122 = vector.broadcast %parallel_loop3A_121 : f32 to vector<16xf32>
          %parallel_loop3A_123 = arith.addf %parallel_loop3A_117, %parallel_loop3A_122 : vector<16xf32>
          %parallel_loop3A_124 = arith.constant 0x4B000000 : f32
          %parallel_loop3A_125 = vector.broadcast %parallel_loop3A_124 : f32 to vector<16xf32>
          %parallel_loop3A_126 = arith.subf %parallel_loop3A_120, %parallel_loop3A_125 : vector<16xf32>
          %parallel_loop3A_127 = arith.subf %parallel_loop3A_114, %parallel_loop3A_126 : vector<16xf32>
          %parallel_loop3A_128 = arith.constant 0x4B000000 : f32
          %parallel_loop3A_129 = vector.broadcast %parallel_loop3A_128 : f32 to vector<16xf32>
          %parallel_loop3A_130 = arith.subf %parallel_loop3A_123, %parallel_loop3A_129 : vector<16xf32>
          %parallel_loop3A_131 = arith.subf %parallel_loop3A_117, %parallel_loop3A_130 : vector<16xf32>
          %parallel_loop3A_132 = vector.bitcast %parallel_loop3A_120 : vector<16xf32> to vector<16xi32>
          %parallel_loop3A_133 = arith.constant 100 : i32
          %parallel_loop3A_134 = vector.broadcast %parallel_loop3A_133 : i32 to vector<16xi32>
          %parallel_loop3A_135 = arith.muli %parallel_loop3A_132, %parallel_loop3A_134 : vector<16xi32>
          %parallel_loop3A_136 = vector.bitcast %parallel_loop3A_123 : vector<16xf32> to vector<16xi32>
          %parallel_loop3A_137 = arith.addi %parallel_loop3A_135, %parallel_loop3A_136 : vector<16xi32>
          %parallel_loop3A_138 = arith.constant 1761607680 : i32
          %parallel_loop3A_139 = vector.broadcast %parallel_loop3A_138 : i32 to vector<16xi32>
          %parallel_loop3A_140 = arith.addi %parallel_loop3A_137, %parallel_loop3A_139 : vector<16xi32>
          %parallel_loop3A_141 = arith.constant 0 : i32
          %parallel_loop3A_142 = tpu.memref_slice %arg6[%parallel_loop3A_141] : memref<40000xf32, #tpu.memory_space<vmem>> -> memref<10000xf32, #tpu.memory_space<vmem>>
          %parallel_loop3A_143 = tpu.vector_load_idx %parallel_loop3A_142[%parallel_loop3A_140] : memref<10000xf32, #tpu.memory_space<vmem>>[vector<16xi32>], vector<16xf32>,
          %parallel_loop3A_144 = arith.constant 10000 : i32
          %parallel_loop3A_145 = tpu.memref_slice %arg6[%parallel_loop3A_144] : memref<40000xf32, #tpu.memory_space<vmem>> -> memref<10000xf32, #tpu.memory_space<vmem>>
          %parallel_loop3A_146 = tpu.vector_load_idx %parallel_loop3A_145[%parallel_loop3A_140] : memref<10000xf32, #tpu.memory_space<vmem>>[vector<16xi32>], vector<16xf32>,
          %parallel_loop3A_147 = arith.constant 20000 : i32
          %parallel_loop3A_148 = tpu.memref_slice %arg6[%parallel_loop3A_147] : memref<40000xf32, #tpu.memory_space<vmem>> -> memref<10000xf32, #tpu.memory_space<vmem>>
          %parallel_loop3A_149 = tpu.vector_load_idx %parallel_loop3A_148[%parallel_loop3A_140] : memref<10000xf32, #tpu.memory_space<vmem>>[vector<16xi32>], vector<16xf32>,
          %parallel_loop3A_150 = arith.constant 30000 : i32
          %parallel_loop3A_151 = tpu.memref_slice %arg6[%parallel_loop3A_150] : memref<40000xf32, #tpu.memory_space<vmem>> -> memref<10000xf32, #tpu.memory_space<vmem>>
          %parallel_loop3A_152 = tpu.vector_load_idx %parallel_loop3A_151[%parallel_loop3A_140] : memref<10000xf32, #tpu.memory_space<vmem>>[vector<16xi32>], vector<16xf32>,
          %parallel_loop3A_153 = arith.mulf %parallel_loop3A_146, %parallel_loop3A_131 : vector<16xf32>
          %parallel_loop3A_154 = arith.addf %parallel_loop3A_143, %parallel_loop3A_153 : vector<16xf32>
          %parallel_loop3A_155 = arith.mulf %parallel_loop3A_152, %parallel_loop3A_131 : vector<16xf32>
          %parallel_loop3A_156 = arith.addf %parallel_loop3A_149, %parallel_loop3A_155 : vector<16xf32>
          %parallel_loop3A_157 = arith.mulf %parallel_loop3A_156, %parallel_loop3A_127 : vector<16xf32>
          %parallel_loop3A_158 = arith.addf %parallel_loop3A_154, %parallel_loop3A_157 : vector<16xf32>
          %parallel_loop3A_159 = arith.index_cast %parallel_loop3A_107 : i32 to index
          %parallel_loop3A_160 = tpu.vector_load %arg9[%parallel_loop3A_159] {strides = array<i32>} : memref<8000xf32, #tpu.memory_space<vmem>>, vector<16xf32>,
          tpu.vector_store %arg9[%parallel_loop3A_159], %parallel_loop3A_158 {strides = array<i32>} : memref<8000xf32, #tpu.memory_space<vmem>>, vector<16xf32>,
        } {sc.loop_unroll_factor = 2 : i64, sc.parallel_access}
        %mul3A_93 = arith.constant 32 : i32
        %mul3A_94 = arith.muli %add3A_54, %mul3A_93 : i32
        %add3A_95 = arith.addi %add3A, %mul3A_94 : i32
        %mul3A_96 = arith.constant 4000 : i32
        %mul3A_97 = arith.muli %add3A_95, %mul3A_96 : i32
        %dma_start3A = arith.constant 4000 : i32
        %dma_start3A_98 = tpu.memref_slice %arg9[%dma_start3A] : memref<8000xf32, #tpu.memory_space<vmem>> -> memref<4000xf32, #tpu.memory_space<vmem>>
        %dma_start3A_99 = tpu.memref_slice %arg5[%mul3A_97] : memref<4000000xf32, #tpu.memory_space<hbm>> -> memref<4000xf32, #tpu.memory_space<hbm>>
        %dma_start3A_100 = tpu.memref_slice %arg5[%mul3A_97] : memref<4000000xf32, #tpu.memory_space<hbm>> -> memref<4000xf32, #tpu.memory_space<hbm>>
        %dma_start3A_101 = arith.constant 4000 : i32
        %dma_start3A_102 = tpu.memref_slice %arg9[%dma_start3A_101] : memref<8000xf32, #tpu.memory_space<vmem>> -> memref<4000xf32, #tpu.memory_space<vmem>>
        tpu.enqueue_dma source(%dma_start3A_102 : memref<4000xf32, #tpu.memory_space<vmem>>) target(%dma_start3A_100 : memref<4000xf32, #tpu.memory_space<hbm>>) target_semaphore(%arg13 : memref<!tpu.dma_semaphore, #tpu.memory_space<semaphore_mem>>)
      } else {
      }
    }
    %scan3A_6 = arith.constant 16 : i32
    %sub3A = arith.constant 1000 : i32
    %sub3A_7 = arith.subi %sub3A, %add3A : i32
    %add3A_8 = arith.constant 32 : i32
    %add3A_9 = arith.addi %sub3A_7, %add3A_8 : i32
    %sub3A_10 = arith.constant 1 : i32
    %sub3A_11 = arith.subi %add3A_9, %sub3A_10 : i32
    %jit3A = arith.constant 32 : i32
    %div3A = arith.divsi %sub3A_11, %jit3A : i32
    %sign3A = arith.constant 0 : i32
    %sign3A_12 = arith.cmpi sgt, %sub3A_11, %sign3A : i32
    %sign3A_13 = arith.extui %sign3A_12 : i1 to i32
    %sign3A_14 = arith.constant 0 : i32
    %sign3A_15 = arith.cmpi slt, %sub3A_11, %sign3A_14 : i32
    %sign3A_16 = arith.extui %sign3A_15 : i1 to i32
    %sign3A_17 = arith.subi %sign3A_13, %sign3A_16 : i32
    %sign3A_18 = arith.constant 0 : i32
    %sign3A_19 = arith.cmpi sgt, %jit3A, %sign3A_18 : i32
    %sign3A_20 = arith.extui %sign3A_19 : i1 to i32
    %sign3A_21 = arith.constant 0 : i32
    %sign3A_22 = arith.cmpi slt, %jit3A, %sign3A_21 : i32
    %sign3A_23 = arith.extui %sign3A_22 : i1 to i32
    %sign3A_24 = arith.subi %sign3A_20, %sign3A_23 : i32
    %ne3A = arith.cmpi ne, %sign3A_17, %sign3A_24 : i32
    %rem3A = arith.remsi %sub3A_11, %jit3A : i32
    %ne3A_25 = arith.constant 0 : i32
    %ne3A_26 = arith.cmpi ne, %rem3A, %ne3A_25 : i32
    %and3A = arith.andi %ne3A, %ne3A_26 : i1
    %sub3A_27 = arith.constant 1 : i32
    %sub3A_28 = arith.subi %div3A, %sub3A_27 : i32
    %select_n3A = arith.select %and3A, %sub3A_28, %div3A : i32
    %ge3A = arith.constant 1 : i32
    %ge3A_29 = arith.cmpi sge, %select_n3A, %ge3A : i32
    %convert_element_type3A_30 = arith.extui %ge3A_29 : i1 to i32
    %cond3A_31 = arith.constant 0 : i32
    %cond3A_32 = arith.cmpi ne, %convert_element_type3A_30, %cond3A_31 : i32
    scf.if %cond3A_32 {
      %add3A_38 = arith.constant 0 : i32
      %add3A_39 = arith.addi %add3A, %add3A_38 : i32
      %mul3A_40 = arith.constant 4000 : i32
      %mul3A_41 = arith.muli %add3A_39, %mul3A_40 : i32
      %dma_wait3A = arith.constant 0 : i32
      %dma_wait3A_42 = tpu.memref_slice %arg9[%dma_wait3A] : memref<8000xf32, #tpu.memory_space<vmem>> -> memref<4000xf32, #tpu.memory_space<vmem>>
      %dma_wait3A_43 = tpu.memref_slice %arg5[%mul3A_41] : memref<4000000xf32, #tpu.memory_space<hbm>> -> memref<4000xf32, #tpu.memory_space<hbm>>
      %dma_wait3A_44 = tpu.memref_slice %arg5[%mul3A_41] : memref<4000000xf32, #tpu.memory_space<hbm>> -> memref<4000xf32, #tpu.memory_space<hbm>>
      %dma_wait3A_45 = arith.constant 0 : i32
      %dma_wait3A_46 = tpu.memref_slice %arg9[%dma_wait3A_45] : memref<8000xf32, #tpu.memory_space<vmem>> -> memref<4000xf32, #tpu.memory_space<vmem>>
      tpu.wait_dma2 semaphore(%arg12 : memref<!tpu.dma_semaphore, #tpu.memory_space<semaphore_mem>>) src(%dma_wait3A_46 : memref<4000xf32, #tpu.memory_space<vmem>>) dst(%dma_wait3A_44 : memref<4000xf32, #tpu.memory_space<hbm>>)
    } else {
    }
    %ge3A_33 = arith.constant 2 : i32
    %ge3A_34 = arith.cmpi sge, %select_n3A, %ge3A_33 : i32
    %convert_element_type3A_35 = arith.extui %ge3A_34 : i1 to i32
    %cond3A_36 = arith.constant 0 : i32
    %cond3A_37 = arith.cmpi ne, %convert_element_type3A_35, %cond3A_36 : i32
    scf.if %cond3A_37 {
      %add3A_38 = arith.constant 32 : i32
      %add3A_39 = arith.addi %add3A, %add3A_38 : i32
      %mul3A_40 = arith.constant 4000 : i32
      %mul3A_41 = arith.muli %add3A_39, %mul3A_40 : i32
      %dma_wait3A = arith.constant 4000 : i32
      %dma_wait3A_42 = tpu.memref_slice %arg9[%dma_wait3A] : memref<8000xf32, #tpu.memory_space<vmem>> -> memref<4000xf32, #tpu.memory_space<vmem>>
      %dma_wait3A_43 = tpu.memref_slice %arg5[%mul3A_41] : memref<4000000xf32, #tpu.memory_space<hbm>> -> memref<4000xf32, #tpu.memory_space<hbm>>
      %dma_wait3A_44 = tpu.memref_slice %arg5[%mul3A_41] : memref<4000000xf32, #tpu.memory_space<hbm>> -> memref<4000xf32, #tpu.memory_space<hbm>>
      %dma_wait3A_45 = arith.constant 4000 : i32
      %dma_wait3A_46 = tpu.memref_slice %arg9[%dma_wait3A_45] : memref<8000xf32, #tpu.memory_space<vmem>> -> memref<4000xf32, #tpu.memory_space<vmem>>
      tpu.wait_dma2 semaphore(%arg13 : memref<!tpu.dma_semaphore, #tpu.memory_space<semaphore_mem>>) src(%dma_wait3A_46 : memref<4000xf32, #tpu.memory_space<vmem>>) dst(%dma_wait3A_44 : memref<4000xf32, #tpu.memory_space<hbm>>)
    } else {
    }
    return
  }
}

</mosaic_0001>

<sc_bundles>
// kernel: kernel.3.cloned.1.call-start
scs
__scs_entry_jumppad:
0x0: {  	(pc) =	sbr.rel $0x88, $3  }
0x1: {  	(tag) =	ssettag $0x0;
	lr =	simm.s32 $0x1  }
0x2: {  	[smem:$0x3F9E] =	sst lr;
	_ =	strace $0xD0000000  }
0x3: {  	_ = 	snop  }
0x4: {  	_ = 	snop  }
0x5: {  	_ = 	snop  }
0x6: {  	_ = 	snop  }
0x7: {  	_ = 	snop  }
__scs_overlays_trampoline_lowered:
0x8: {  	[smem:$0x3FAD] =	sst s0  }
0x9: {  	[smem:$0x3FAE] =	sst s1  }
0xa: {  	[smem:$0x3FAF] =	sst s2  }
0xb: {  	[smem:$0x3FB0] =	sst s3  }
0xc: {  	[smem:$0x3FB1] =	sst s4  }
0xd: {  	[smem:$0x3FB2] =	sst s5  }
0xe: {  	[smem:$0x3FB3] =	sst s6  }
0xf: {  	[smem:$0x3FB4] =	sst s7  }
0x10: {  	[smem:$0x3FB5] =	sst s8  }
0x11: {  	[smem:$0x3FB6] =	sst s9;
	s0 =	simm.s32 @!p0 $0x0  }
0x12: {  	s1 =	sld [smem:$0x3F9C];
	s0 =	simm.s32 @p0 $0x1  }
0x13: {  	[smem:$0x3FB7] =	sst s0;
	s0 =	simm.s32 @!p1 $0x0  }
0x14: {  	s2 =	sld [smem:$0x3F9B];
	s0 =	simm.s32 @p1 $0x1  }
0x15: {  	[smem:$0x3FB8] =	sst s0;
	s0 =	simm.s32 @!p2 $0x0  }
0x16: {  	s3 =	sld [smem:$0x3FDB];
	s0 =	simm.s32 @p2 $0x1  }
0x17: {  	s4 =	simm.s32 $0x1BF5;
	[smem:$0x3FBA] =	sst s0  }
0x18: {  	s0 =	sld [smem:$0x3F9D];
	_ =	swait.ge [sflag:s4], $0x0  }
0x19: {  	s7 =	sld [smem:$0x3F9E]  }
0x1a: {  	s8 =	sadd.s32 $0xFFFFE003, lr  }
0x1b: {  	s9 =	sadd.s32 $0xFFFFFEF7, lr;
	s5 =	simm.s32 $0xFFFFFFFF;
	p2 =	slt.u32 s8, $0xFFFFF086  }
0x1c: {  	p1 =	slt.u32 s9, $0xF7A;
	s5 =	simm.s32 @!p2 $0x0  }
0x1d: {  	s5 =	simm.s32 @p1 $0x1;
	p0 =	seq.s32 s7, s2  }
0x1e: {  	s7 =	smul.u32 @!p0 $0xF7A, s2;
	p2 =	seq.s32 @!p0 s5, $0x0  }
0x1f: {  	s9 =	smul.u32 $0xF7A, s1;
	s8 =	simm.s32 @!p0 $0x1BF5;
	p2 =	por !p2, p0  }
0x20: {  	[sflag:s8] =	ssyncset.s32 @!p0 $0xFFFFF086;
	s6 =	sadd.s32 @!p0 s3, s7;
	s7 =	simm.s32 @!p0 $0x108  }
0x21: {  	s3 =	sadd.s32 s3, s9;
	s6 =	sadd.s32 @!p0 $0x88, s6;
	s7 =	simm.s32 @p2 $0x1082  }
0x22: {  	[simem:s7], [sflag:s8] =	dma.local @!p0 [hbm:s6], $0xF7A  }
0x23: {  	s9 =	sor.u32 $0xD0000000, s2;
	s6 =	simm.s32 $0x108;
	_ =	swait.ge @!p0 [sflag:s8], $0x0  }
0x24: {  	s3 =	sadd.s32 $0x88, s3;
	s6 =	simm.s32 @!p1 $0x1082;
	[sflag:s4] =	ssyncset.s32 $0xFFFFF086  }
0x25: {  	[simem:s6], [sflag:s4] =	dma.local [hbm:s3], $0xF7A  }
0x26: {  	[smem:$0x3F9E] =	sst s1;
	(tag) =	ssettag s2;
	_ =	strace s9  }
0x27: {  	s1 =	sld [smem:$0x3FAE]  }
0x28: {  	s2 =	sld [smem:$0x3FAF]  }
0x29: {  	s4 =	sld [smem:$0x3FB1]  }
0x2a: {  	p0 =	seq.s32 s5, $0x0;
	s5 =	sld [smem:$0x3FB2]  }
0x2b: {  	s6 =	sld [smem:$0x3FB3]  }
0x2c: {  	s7 =	sld [smem:$0x3FB4]  }
0x2d: {  	s3 =	simm.s32 $0x108;
	s8 =	sld [smem:$0x3FB5]  }
0x2e: {  	s3 =	simm.s32 @!p0 $0x1082;
	s9 =	sld [smem:$0x3FB6]  }
0x2f: {  	lr =	sadd.s32 s0, s3;
	s0 =	sld [smem:$0x3FAD]  }
0x30: {  	s3 =	sld [smem:$0x3FB0]  }
0x31: {  	[smem:$0x3FB9] =	sst s10  }
0x32: {  	s10 =	sld [smem:$0x3FB7];
	_ =	sdelay $0x3  }
0x33: {  	p0 =	seq.s32 s10, $0x1;
	s10 =	sld [smem:$0x3FB9];
	_ =	sdelay $0x3  }
0x34: {  	[smem:$0x3FB9] =	sst s10  }
0x35: {  	s10 =	sld [smem:$0x3FB8];
	_ =	sdelay $0x3  }
0x36: {  	p1 =	seq.s32 s10, $0x1;
	s10 =	sld [smem:$0x3FB9];
	_ =	sdelay $0x3  }
0x37: {  	[smem:$0x3FB9] =	sst s10  }
0x38: {  	s10 =	sld [smem:$0x3FBA]  }
0x39: {  	_ = 	snop;
	(pc) =	sbr.ind lr, $3  }
0x3a: {  	_ = 	snop  }
0x3b: {  	_ = 	snop  }
0x3c: {  	p2 =	seq.s32 s10, $0x1;
	s10 =	sld [smem:$0x3FB9]  }
0x3d: {  	_ =	shalt  }
0x3e: {  	_ =	shalt  }
0x3f: {  	_ =	shalt  }
0x40: {  	_ =	shalt  }
0x41: {  	_ =	shalt  }
0x42: {  	_ =	shalt  }
0x43: {  	_ =	shalt  }
0x44: {  	_ =	shalt  }
0x45: {  	_ =	shalt  }
0x46: {  	_ =	shalt  }
0x47: {  	_ =	shalt  }
0x48: {  	_ =	shalt  }
0x49: {  	_ =	shalt  }
0x4a: {  	_ =	shalt  }
0x4b: {  	_ =	shalt  }
0x4c: {  	_ =	shalt  }
0x4d: {  	_ =	shalt  }
0x4e: {  	_ =	shalt  }
0x4f: {  	_ =	shalt  }
0x50: {  	_ =	shalt  }
0x51: {  	_ =	shalt  }
0x52: {  	_ =	shalt  }
0x53: {  	_ =	shalt  }
0x54: {  	_ =	shalt  }
0x55: {  	_ =	shalt  }
0x56: {  	_ =	shalt  }
0x57: {  	_ =	shalt  }
0x58: {  	_ =	shalt  }
0x59: {  	_ =	shalt  }
0x5a: {  	_ =	shalt  }
0x5b: {  	_ =	shalt  }
0x5c: {  	_ =	shalt  }
0x5d: {  	_ =	shalt  }
0x5e: {  	_ =	shalt  }
0x5f: {  	_ =	shalt  }
0x60: {  	_ =	shalt  }
0x61: {  	_ =	shalt  }
0x62: {  	_ =	shalt  }
0x63: {  	_ =	shalt  }
0x64: {  	_ =	shalt  }
0x65: {  	_ =	shalt  }
0x66: {  	_ =	shalt  }
0x67: {  	_ =	shalt  }
0x68: {  	_ =	shalt  }
0x69: {  	_ =	shalt  }
0x6a: {  	_ =	shalt  }
0x6b: {  	_ =	shalt  }
0x6c: {  	_ =	shalt  }
0x6d: {  	_ =	shalt  }
0x6e: {  	_ =	shalt  }
0x6f: {  	_ =	shalt  }
0x70: {  	_ =	shalt  }
0x71: {  	_ =	shalt  }
0x72: {  	_ =	shalt  }
0x73: {  	_ =	shalt  }
0x74: {  	_ =	shalt  }
0x75: {  	_ =	shalt  }
0x76: {  	_ =	shalt  }
0x77: {  	_ =	shalt  }
0x78: {  	_ =	shalt  }
0x79: {  	_ =	shalt  }
0x7a: {  	_ =	shalt  }
0x7b: {  	_ =	shalt  }
0x7c: {  	_ =	shalt  }
0x7d: {  	_ =	shalt  }
0x7e: {  	_ =	shalt  }
0x7f: {  	_ =	shalt  }
0x80: {  	_ =	shalt  }
0x81: {  	_ =	shalt  }
0x82: {  	_ =	shalt  }
0x83: {  	_ =	shalt  }
0x84: {  	_ =	shalt  }
0x85: {  	_ =	shalt  }
0x86: {  	_ =	shalt  }
0x87: {  	_ =	shalt  }
.Lfunc_end0:
.L_simem_size_0:
called_computation_lowered:
.L_overlay_start_0:
0x88: {  	s2 =	sld [smem:$0x3FD9]  }
0x89: {  	s3 =	sld [smem:$0x3FFE];
	_ =	sdelay $0x1  }
0x8a: {  	s1 =	srdreg.scid  }
0x8b: {  	s0 =	sand.u32 $0x1, s1  }
0x8c: {  	s17 =	sshll.u32 s0, $0xA;
	s2 =	sadd.s32 s3, s2  }
0x8d: {  	s2 =	sadd.s32 s2, s17  }
0x8e: {  	[smem:$0x3FC5] =	sst s2  }
0x8f: {  	_ = 	snop  }
0x90: {  	s2 =	sld [smem:$0x3FC9]  }
0x91: {  	s18 =	sld [smem:$0x3FC8]  }
0x92: {  	s4 =	sld [smem:$0x3FD0];
	(tm) =	ssettm $0x1  }
0x93: {  	s5 =	sld [smem:$0x3FFB];
	_ =	sdelay $0x3  }
0x94: {  	_ =	strace s5  }
0x95: {  	s5 =	sld [smem:$0x3FFC];
	_ =	sdelay $0x3  }
0x96: {  	_ =	strace s5  }
0x97: {  	s5 =	sld [smem:$0x3FFD];
	_ =	sdelay $0x3  }
0x98: {  	_ =	strace s5  }
0x99: {  	_ =	strace $0x8FFFFFFF  }
0x9a: {  	s19 =	sld [smem:$0x3FDB];
	_ =	sdelay $0x1  }
0x9b: {  	s6 =	simm.s32 $_scs_section_size  }
0x9c: {  	s7 =	simm.s32 $_size__tile_overlayer_lowered;
	s8 =	simm.s32 $_tile_overlayer_lowered  }
0x9d: {  	s22 =	simm.s32 $0x1BFF;
	s21 =	sshll.u32 s8, $0x1;
	s5 =	sadd.s32 s6, s19  }
0x9e: {  	s9 =	simm.s32 $0x0;
	s20 =	sshll.u32 s7, $0x1;
	s7 =	sadd.s32 s21, s5  }
0x9f: {  	[timem:s9], [sflag:s22] =	dma.local [hbm:s7], s20  }
0xa0: {  	_ =	swait.ge [sflag:s22], s20  }
0xa1: {  	s6 =	ssub.s32 $0x0, s20;
	[sflag:s22] =	ssyncset.done $0x0  }
0xa2: {  	[sflag:s22] =	ssyncadd.s32 s6;
	_ =	sdelay $0x1  }
0xa3: {  	s23 =	simm.s32 $0x1B8B  }
0xa4: {  	_ =	swait.ge [sflag:s23], $0x1  }
0xa5: {  	[sflag:s23] =	ssyncset.done $0x0  }
0xa6: {  	s25 =	simm.s32 $0x1B8E;
	s24 =	sld [smem:$0x3FFE];
	[sflag:s23] =	ssyncadd.s32 $0xFFFFFFFF  }
0xa7: {  	s26 =	simm.s32 $execute0_lowered;
	[smem:$0x3FD2] =	sst s25  }
0xa8: {  	s7 =	sshll.u32 s26, $0x1;
	_ =	strace $0x80000046;
	[dreg:$0x1] =	wrdreg $0xFFFFFFFF  }
0xa9: {  	s28 =	simm.s32 $_size_execute0_lowered;
	s5 =	sadd.s32 s5, s7;
	[dreg:$0x0] =	wrdreg $0x0  }
0xaa: {  	s7 =	sshll.u32 s28, $0x1;
	[dreg:$0x2] =	wrdreg s5  }
0xab: {  	[dreg:$0x3] =	wrdreg s7  }
0xac: {  	[dreg:$0x4] =	wrdreg $0xC0  }
0xad: {  	_ =	task [dreg:s9], $0x5FFFF  }
0xae: {  	[dreg:$0x1] =	wrdreg $0xFFFFFFFF  }
0xaf: {  	[dreg:$0x0] =	wrdreg $0x60  }
0xb0: {  	[dreg:$0x2] =	wrdreg s2  }
0xb1: {  	[dreg:$0x3] =	wrdreg s18  }
0xb2: {  	[dreg:$0x4] =	wrdreg s24  }
0xb3: {  	[dreg:$0x5] =	wrdreg s4  }
0xb4: {  	[dreg:$0x6] =	wrdreg $0x9  }
0xb5: {  	_ =	task.clear_ibuf [dreg:s9], $0x7FFFF;
	_ =	strace $0x90000046  }
0xb6: {  	s29 =	simm.s32 $0x9;
	_ =	strace $0x80000048  }
0xb7: {  	_ =	swait.ge [sflag:s29], $0x1  }
0xb8: {  	[sflag:s29] =	ssyncadd.s32 $0xFFFFFFFF  }
0xb9: {  	_ =	strace $0x90000048  }
0xba: {  	_ =	sfence  }
0xbb: {  	s30 =	sld [smem:$0x0];
	_ =	sdelay $0x2  }
0xbc: {  	s31 =	sshll.u32 s1, $0xD;
	s1 =	sshrl.u32 s1, $0x2  }
0xbd: {  	s3 =	sand.u32 $0x4000, s31;
	s1 =	sadd.s32 s1, s30  }
0xbe: {  	s0 =	sor.u32 s3, s0;
	s1 =	sshll.u32 s1, $0x11  }
0xbf: {  	s0 =	sor.u32 s1, s0  }
0xc0: {  	s0 =	sadd.s32 $0x8F2B, s0  }
0xc1: {  	[sflag:s0] =	ssyncadd.remote.s32 $0x1  }
0xc2: {  	_ =	sfence.sel $0xFFFF  }
0xc3: {  	[dreg:$0x0] =	wrdreg $0xFFFFFFFF;
	(pc) =	sbr.abs _section_cstart, $3  }
0xc4: {  	[dreg:$0x1] =	wrdreg $0xFFFFFFFF  }
0xc5: {  	_ =	task.clear_ibuf [dreg:s9], $0x2FFFF;
	_ =	strace $0x9FFFFFFF  }
0xc6: {  	(tm) =	ssettm $0x7FFFFFFF  }
0xc7: {  	_ =	shalt  }
tec
execute0_lowered:
.L_overlay_start_1:
0x0: {  	(tag) =	ssettag $0x1  }
0x1: {  	s1 =	rddreg [dreg:$0x0]  }
0x2: {  	s2 =	rddreg [dreg:$0x1]  }
0x3: {  	s0 =	rddreg [dreg:$0x2]  }
0x4: {  	s3 =	srdreg.scid;
	s5 =	stileid.u32  }
0x5: {  	s4 =	rddreg [dreg:$0x3];
	s12 =	simm.s32 $0x9C80;
	s13 =	simm.s32 $0xBC00  }
0x6: {  	s14 =	simm.s32 $0x5;
	s15 =	simm.s32 $0x1;
	s16 =	simm.s32 $0x2710  }
0x7: {  	s17 =	simm.s32 $0x4E20;
	s18 =	simm.s32 $0x7530;
	s19 =	simm.s32 $0xDB80  }
0x8: {  	s20 =	simm.s32 $0x2;
	s21 =	simm.s32 $0xEB20;
	s22 =	simm.s32 $0x3  }
0x9: {  	s23 =	simm.s32 $0x4;
	s24 =	simm.s32 $0x0;
	s3 =	sand.u32 $0x1, s3  }
.Ltmp0:
0xa: {  	s6 =	sshll.u32 s5, $0x1;
	s5 =	simm.s32 $0x0;
	(pc) =	sbr.rel .LBB2_1-.Ltmp0, $4  }
0xb: {  	s7 =	sadd.s32 $0x800, s0;
	s6 =	sor.u32 s3, s6;
	s3 =	ssub.s32 $0x2, s3  }
0xc: {  	[smem:$0x7FF] =	sst s5;
	s9 =	smul.u32 $0x1F4, s6;
	s31 =	sshrl.u32 s3, $0x1  }
0xd: {  	_ =	strace $0x80000047;
	s10 =	sor.u32 $0x40, s6;
	s0 =	ssub.s32 s3, s31  }
0xe: {  	s8 =	sadd.s32 s1, s9;
	s9 =	sadd.s32 s2, s9;
	s11 =	smax.u32 s0, $0x1  }
.LBB2_9:
0xf: {  	s24 =	sadd.s32 $0x1, s24  }
0x10: {  	_ =	swait.ge [sflag:s22], $0xFA0;
	p0 =	sne.s32 s24, s11  }
.Ltmp1:
0x11: {  	[sflag:s22] =	ssyncset.done $0x0;
	(pc) =	sbr.rel @!p0 .LBB2_10-.Ltmp1, $4  }
0x12: {  	[sflag:s22] =	ssyncadd.s32 $0xFFFFF060  }
0x13: {  	_ =	swait.ge [sflag:s23], $0xFA0  }
0x14: {  	[sflag:s23] =	ssyncset.done $0x0  }
0x15: {  	[sflag:s23] =	ssyncadd.s32 $0xFFFFF060  }
.LBB2_1:
0x16: {  	[tilespmem:s5], [sflag:$0x5] =	stream.linear.gather [hbm4b:s7+s5], $0x9C80, $0x38;
	[tilespmem:$0xFB00] =	vst v63  }
0x17: {  	_ = 	snop  }
0x18: {  	[tilespmem:s12], [sflag:$0x1] =	stream.linear.gather [hbm4b:s8+s5], $0xFA0, $0x38;
	[tilespmem:$0xFB00] =	vst v63  }
.Ltmp2:
0x19: {  	_ = 	snop;
	(pc) =	sbr.rel .LBB2_2-.Ltmp2, $4  }
0x1a: {  	[tilespmem:s13], [sflag:$0x1] =	stream.linear.gather [hbm4b:s9+s5], $0xFA0, $0x38;
	[tilespmem:$0xFB00] =	vst v63  }
0x1b: {  	_ =	swait.ge [sflag:s14], $0x9C80  }
0x1c: {  	[sflag:s14] =	ssyncset.done $0x0  }
0x1d: {  	s25 =	simm.s32 $0x0;
	[sflag:s14] =	ssyncadd.s32 $0xFFFF6380  }
.LBB2_8:
0x1e: {  	s25 =	sadd.s32 $0x1, s25  }
0x1f: {  	p0 =	sne.s32 s25, $0x10  }
.Ltmp3:
0x20: {  	_ = 	snop;
	(pc) =	sbr.rel @!p0 .LBB2_9-.Ltmp3, $1  }
0x21: {  	_ =	sdelay $0x3  }
.LBB2_2:
0x22: {  	s26 =	sshll.u32 s25, $0x6  }
0x23: {  	s28 =	sor.u32 s6, s26  }
0x24: {  	p0 =	sgt.u32 s28, $0x3C7  }
0x25: {  	s0 =	smul.u32 @!p0 $0x1F4, s28;
	_ =	sdelay $0x1  }
0x26: {  	s0 =	sadd.s32 @!p0 $0x3E80, s0  }
0x27: {  	s29 =	simm.s32 @!p0 $0x0;
	s30 =	simm.s32 @!p0 $0xAC20;
	s3 =	sadd.s32 @!p0 s1, s0  }
0x28: {  	[tilespmem:s30], [sflag:$0x2] =	stream.linear.gather @!p0 [hbm4b:s3+s29], $0xFA0, $0x38;
	[tilespmem:$0xFB00] =	vst v63  }
0x29: {  	s0 =	sadd.s32 @!p0 s2, s0;
	s3 =	simm.s32 @!p0 $0xCBA0  }
0x2a: {  	[tilespmem:s3], [sflag:$0x2] =	stream.linear.gather @!p0 [hbm4b:s0+s29], $0xFA0, $0x38;
	[tilespmem:$0xFB00] =	vst v63  }
0x2b: {  	_ =	swait.ge [sflag:s15], $0xFA0  }
0x2c: {  	[sflag:s15] =	ssyncset.done $0x0  }
0x2d: {  	[sflag:s15] =	ssyncadd.s32 $0xFFFFF060  }
0x2e: {  	_ =	swait.ge [sflag:s15], $0xFA0  }
0x2f: {  	p0 =	seq.s32 s25, $0x0;
	[sflag:s15] =	ssyncset.done $0x0  }
0x30: {  	s0 =	simm.s32 @!p0 $0x3;
	[sflag:s15] =	ssyncadd.s32 $0xFFFFF060  }
0x31: {  	_ =	swait.ge @!p0 [sflag:s0], $0xFA0  }
0x32: {  	[sflag:s0] =	ssyncset.done @!p0 $0x0  }
0x33: {  	[sflag:s0] =	ssyncadd.s32 @!p0 $0xFFFFF060;
	s0 =	simm.s32 $0xBC10  }
0x34: {  	v0 =	vld [tilespmem:s0+$0x0]  }
0x35: {  	s3 =	simm.s32 $0x9C90  }
0x36: {  	v1 =	vld [tilespmem:s3+$0x0]  }
0x37: {  	v2 =	vld [tilespmem:s0+$0xFFFFFFF0];
	_ =	sdelay $0x1  }
0x38: {  	v3 =	vld [tilespmem:s3+$0xFFFFFFF0];
	v4 =	vmul.f32 $1.000000000e+01, v0;
	_ =	sdelay $0x1  }
0x39: {  	v1 =	vmul.f32 $1.000000000e+02, v1;
	v5 =	vadd.f32 $8.388607500e+06, v4  }
0x3a: {  	v2 =	vmul.f32 $1.000000000e+01, v2  }
0x3b: {  	s3 =	simm.s32 $0xBC30;
	v6 =	vadd.f32 $8.388607500e+06, v1;
	v0 =	vmul.u32 $0x64, v5  }
0x3c: {  	v10 =	vld [tilespmem:s3+$0x0];
	v3 =	vmul.f32 $1.000000000e+02, v3;
	v7 =	vadd.f32 $8.388607500e+06, v2  }
0x3d: {  	v12 =	vld [tilespmem:s3+$0xFFFFFFF0];
	s3 =	simm.s32 $0x9CB0;
	v0 =	vadd.s32 v0, v6  }
0x3e: {  	v14 =	vld [tilespmem:s3+$0xFFFFFFF0];
	v8 =	vadd.f32 $8.388607500e+06, v3;
	v9 =	vmul.u32 $0x64, v7;
	v11 =	vadd.s32 $0x69000000, v0;
	_ =	sdelay $0x1  }
0x3f: {  	v0 =	vadd.s32 v9, v8;
	v9 =	vld [tilespmem:s3+$0x0]  }
0x40: {  	s3 =	simm.s32 $0xBC50  }
0x41: {  	v8 =	vadd.f32 $-8.388608000e+06, v8;
	v13 =	vadd.s32 $0x69000000, v0;
	v24 =	vld [tilespmem:s3+$0x0]  }
0x42: {  	v14 =	vmul.f32 $1.000000000e+02, v14;
	v0 =	vmul.f32 $1.000000000e+01, v10;
	v10 =	vld.idx.msk [tilespmem:v11+s18+$0x0], $0xffff  }
0x43: {  	v7 =	vadd.f32 $-8.388608000e+06, v7;
	v8 =	vsub.f32 v3, v8;
	v15 =	vld.idx.msk [tilespmem:v11+s16+$0x0], $0xffff  }
0x44: {  	v3 =	vadd.f32 $8.388607500e+06, v14;
	v22 =	vadd.f32 $8.388607500e+06, v0;
	v16 =	vmul.f32 $1.000000000e+02, v9;
	v9 =	vld.idx.msk [tilespmem:v11+s17+$0x0], $0xffff  }
0x45: {  	v12 =	vmul.f32 $1.000000000e+01, v12;
	v6 =	vadd.f32 $-8.388608000e+06, v6;
	v7 =	vsub.f32 v2, v7;
	v11 =	vld.idx.msk [tilespmem:v11+s5+$0x0], $0xffff  }
0x46: {  	v2 =	vadd.f32 $-8.388608000e+06, v3;
	v20 =	vmul.u32 $0x64, v22;
	v17 =	vld.idx.msk [tilespmem:v13+s18+$0x0], $0xffff;
	v19 =	vadd.f32 $8.388607500e+06, v16  }
0x47: {  	s30 =	simm.s32 $0x9CD0;
	v18 =	vadd.f32 $8.388607500e+06, v12;
	v1 =	vsub.f32 v1, v6;
	v6 =	vld.idx.msk [tilespmem:v13+s16+$0x0], $0xffff  }
0x48: {  	v5 =	vadd.f32 $-8.388608000e+06, v5;
	v2 =	vsub.f32 v14, v2;
	v14 =	vld [tilespmem:s30+$0xFFFFFFF0];
	v20 =	vadd.s32 v20, v19  }
0x49: {  	v21 =	vmul.u32 $0x64, v18;
	v23 =	vld.idx.msk [tilespmem:v13+s17+$0x0], $0xffff;
	v10 =	vmul.f32 v1, v10;
	v25 =	vadd.s32 $0x69000000, v20  }
0x4a: {  	v4 =	vsub.f32 v4, v5;
	v20 =	vld [tilespmem:s3+$0xFFFFFFF0]  }
0x4b: {  	v3 =	vadd.s32 v21, v3;
	v1 =	vmul.f32 v1, v15;
	v15 =	vld [tilespmem:s30+$0x0];
	v5 =	vadd.f32 v10, v9  }
0x4c: {  	v19 =	vadd.f32 $-8.388608000e+06, v19;
	v17 =	vmul.f32 v8, v17;
	v10 =	vadd.f32 $-8.388608000e+06, v18  }
0x4d: {  	v9 =	vadd.s32 $0x69000000, v3;
	v3 =	vld.idx.msk [tilespmem:v13+s5+$0x0], $0xffff;
	v13 =	vmul.f32 $1.000000000e+02, v14;
	v5 =	vmul.f32 v5, v4  }
0x4e: {  	v11 =	vadd.f32 v1, v11;
	v4 =	vmul.f32 v8, v6;
	v6 =	vmul.f32 $1.000000000e+01, v24;
	v26 =	vld.idx.msk [tilespmem:v25+s18+$0x0], $0xffff  }
0x4f: {  	v17 =	vadd.f32 v17, v23;
	v1 =	vsub.f32 v12, v10;
	v10 =	vmul.f32 $1.000000000e+01, v20;
	v12 =	vld.idx.msk [tilespmem:v25+s16+$0x0], $0xffff  }
0x50: {  	v8 =	vmul.f32 $1.000000000e+02, v15;
	v15 =	vld.idx.msk [tilespmem:v25+s17+$0x0], $0xffff;
	v18 =	vadd.f32 v5, v11;
	v5 =	vadd.f32 $8.388607500e+06, v6  }
0x51: {  	v20 =	vsub.f32 v16, v19;
	v16 =	vld.idx.msk [tilespmem:v25+s5+$0x0], $0xffff;
	v23 =	vadd.f32 $8.388607500e+06, v10  }
0x52: {  	v21 =	vadd.f32 $8.388607500e+06, v13;
	v14 =	vld.idx.msk [tilespmem:v9+s18+$0x0], $0xffff;
	v11 =	vadd.f32 $8.388607500e+06, v8;
	v24 =	vmul.u32 $0x64, v5  }
0x53: {  	s29 =	simm.s32 $0xDB90;
	v7 =	vmul.f32 v17, v7;
	v17 =	vld.idx.msk [tilespmem:v9+s16+$0x0], $0xffff;
	v19 =	vadd.f32 $-8.388608000e+06, v23;
	v23 =	vmul.u32 $0x64, v23  }
0x54: {  	s31 =	simm.s32 $0xDB90;
	s0 =	simm.s32 $0xBC70;
	s3 =	simm.s32 $0x4;
	[tilespmem:s29+$0x0] =	vst v18;
	v18 =	vld.idx.msk [tilespmem:v9+s17+$0x0], $0xffff;
	v25 =	vadd.s32 v24, v11;
	v24 =	vadd.f32 $-8.388608000e+06, v22;
	v22 =	vmul.f32 v20, v26  }
.LBB2_3:
0x55: {  	v26 =	vld [tilespmem:s0+$0x0];
	s3 =	sadd.s32 $0x2, s3;
	v27 =	vadd.f32 $-8.388608000e+06, v21;
	v21 =	vadd.s32 v23, v21;
	v23 =	vadd.s32 $0x69000000, v25  }
0x56: {  	s30 =	sadd.s32 $0x20, s30;
	v12 =	vmul.f32 v20, v12;
	v25 =	vld [tilespmem:s0+$0xFFFFFFF0];
	p1 =	slt.u32 s3, $0xF8;
	v24 =	vsub.f32 v0, v24;
	v15 =	vadd.f32 v22, v15;
	v0 =	vmovc v6  }
0x57: {  	v21 =	vadd.s32 $0x69000000, v21;
	v20 =	vld [tilespmem:s30+$0x0];
	v6 =	vsub.f32 v13, v27;
	v13 =	vmul.f32 v2, v14  }
0x58: {  	v19 =	vsub.f32 v10, v19;
	v10 =	vadd.f32 v12, v16;
	v14 =	vld [tilespmem:s30+$0xFFFFFFF0];
	v12 =	vmul.f32 v15, v24  }
0x59: {  	v15 =	vadd.f32 v4, v3;
	v4 =	vmul.f32 v2, v17;
	v3 =	vld.idx.msk [tilespmem:v9+s5+$0x0], $0xffff;
	v2 =	vmovc v6;
	v9 =	vmov v21  }
0x5a: {  	v16 =	vadd.f32 v13, v18;
	v6 =	vmul.f32 $1.000000000e+01, v26;
	v22 =	vld.idx.msk [tilespmem:v23+s18+$0x0], $0xffff;
	v13 =	vadd.f32 v12, v10  }
0x5b: {  	s29 =	sadd.s32 $0x20, s29;
	v17 =	vadd.f32 v7, v15;
	v10 =	vmul.f32 $1.000000000e+01, v25;
	v12 =	vld.idx.msk [tilespmem:v23+s16+$0x0], $0xffff  }
.Ltmp4:
0x5c: {  	v18 =	vmul.f32 $1.000000000e+02, v20;
	v26 =	vadd.f32 $8.388607500e+06, v6;
	v20 =	vadd.f32 $-8.388608000e+06, v11;
	v15 =	vld.idx.msk [tilespmem:v23+s17+$0x0], $0xffff;
	[tilespmem:s29+$0x0] =	vst v13;
	(pc) =	sbr.rel @p1 .LBB2_3-.Ltmp4, $4  }
0x5d: {  	v7 =	vmul.f32 v16, v1;
	v1 =	vmovc v19;
	v13 =	vmul.f32 $1.000000000e+02, v14;
	v24 =	vadd.f32 $8.388607500e+06, v10;
	v14 =	vld.idx.msk [tilespmem:v21+s18+$0x0], $0xffff;
	[tilespmem:s31+$0xFFFFFFF0] =	vst v17;
	s31 =	smov.u32 s29  }
0x5e: {  	v11 =	vadd.f32 $8.388607500e+06, v18;
	v25 =	vmul.u32 $0x64, v26;
	v20 =	vsub.f32 v8, v20;
	v16 =	vld.idx.msk [tilespmem:v23+s5+$0x0], $0xffff;
	v8 =	vmovc v18  }
0x5f: {  	v21 =	vadd.f32 $8.388607500e+06, v13;
	v19 =	vadd.f32 $-8.388608000e+06, v24;
	v23 =	vmul.u32 $0x64, v24;
	v17 =	vld.idx.msk [tilespmem:v9+s16+$0x0], $0xffff  }
0x60: {  	s0 =	sadd.s32 $0x20, s0;
	v24 =	vadd.f32 $-8.388608000e+06, v5;
	v5 =	vmovc v26;
	v25 =	vadd.s32 v25, v11;
	v18 =	vld.idx.msk [tilespmem:v9+s17+$0x0], $0xffff;
	v22 =	vmul.f32 v20, v22  }
0x61: {  	v25 =	vadd.s32 $0x69000000, v25;
	_ =	sdelay $0x1  }
0x62: {  	v23 =	vadd.s32 v23, v21  }
0x63: {  	v23 =	vadd.s32 $0x69000000, v23  }
0x64: {  	v9 =	vld.idx.msk [tilespmem:v9+s5+$0x0], $0xffff  }
0x65: {  	v26 =	vld.idx.msk [tilespmem:v25+s18+$0x0], $0xffff  }
0x66: {  	v45 =	vadd.f32 $-8.388608000e+06, v21;
	v27 =	vld.idx.msk [tilespmem:v25+s16+$0x0], $0xffff  }
0x67: {  	v11 =	vadd.f32 $-8.388608000e+06, v11;
	v10 =	vsub.f32 v10, v19;
	v46 =	vld.idx.msk [tilespmem:v25+s17+$0x0], $0xffff  }
0x68: {  	v3 =	vadd.f32 v4, v3;
	v52 =	vadd.f32 $-8.388608000e+06, v5;
	v47 =	vld.idx.msk [tilespmem:v23+s18+$0x0], $0xffff  }
0x69: {  	v12 =	vmul.f32 v20, v12;
	v0 =	vsub.f32 v0, v24;
	v15 =	vadd.f32 v22, v15;
	v48 =	vld.idx.msk [tilespmem:v23+s16+$0x0], $0xffff  }
0x6a: {  	v13 =	vsub.f32 v13, v45;
	v8 =	vsub.f32 v8, v11;
	v49 =	vld.idx.msk [tilespmem:v23+s17+$0x0], $0xffff  }
0x6b: {  	v14 =	vmul.f32 v2, v14;
	v12 =	vadd.f32 v12, v16;
	v4 =	vsub.f32 v6, v52;
	v51 =	vld.idx.msk [tilespmem:v25+s5+$0x0], $0xffff  }
0x6c: {  	v3 =	vadd.f32 v7, v3;
	v50 =	vmul.f32 v2, v17;
	v54 =	vld.idx.msk [tilespmem:v23+s5+$0x0], $0xffff;
	v53 =	vmul.f32 v8, v26  }
0x6d: {  	v0 =	vmul.f32 v15, v0;
	v14 =	vadd.f32 v14, v18;
	v55 =	vmul.f32 v13, v47  }
0x6e: {  	v2 =	vadd.f32 v50, v9;
	v56 =	vmul.f32 v8, v27;
	v5 =	vadd.f32 v53, v46  }
0x6f: {  	v1 =	vmul.f32 v14, v1;
	v57 =	vmul.f32 v13, v48;
	v58 =	vadd.f32 v55, v49  }
0x70: {  	[tilespmem:s31+$0xFFFFFFF0] =	vst v3;
	s31 =	smul.u32 $0x1F4, s28;
	s28 =	sor.u32 $0x20, s28;
	v0 =	vadd.f32 v0, v12;
	v6 =	vadd.f32 v56, v51;
	v4 =	vmul.f32 v5, v4  }
0x71: {  	s0 =	sadd.s32 $0x20, s29;
	p1 =	sgt.u32 s28, $0x3E7;
	v59 =	vadd.f32 v1, v2;
	v61 =	vadd.f32 v57, v54;
	v60 =	vmul.f32 v58, v10  }
.Ltmp5:
0x72: {  	[tilespmem:s0+$0x0] =	vst v0;
	v62 =	vadd.f32 v4, v6;
	(pc) =	sbr.rel @p1 .LBB2_8-.Ltmp5, $4  }
0x73: {  	s3 =	sadd.s32 $0x20, s0;
	[tilespmem:s0+$0xFFFFFFF0] =	vst v59;
	v63 =	vadd.f32 v60, v61  }
0x74: {  	[tilespmem:s3+$0x0] =	vst v62  }
0x75: {  	s0 =	sadd.s32 s4, s31;
	[tilespmem:s3+$0xFFFFFFF0] =	vst v63  }
0x76: {  	[hbm4b:s0+s5] =	stream.linear.scatter [tilespmem:s19], [sflag:$0x3], $0xFA0, $0x38;
	[tilespmem:$0xFB00] =	vst v63  }
0x77: {  	p1 =	sgt.u32 s28, $0x3C7  }
0x78: {  	s0 =	sadd.s32 @!p1 s10, s26  }
0x79: {  	s0 =	smul.u32 @!p1 $0x1F4, s0;
	_ =	sdelay $0x1  }
0x7a: {  	s26 =	simm.s32 @!p1 $0x0;
	s29 =	simm.s32 @!p1 $0x9C80;
	s3 =	sadd.s32 @!p1 s1, s0  }
0x7b: {  	[tilespmem:s29], [sflag:$0x1] =	stream.linear.gather @!p1 [hbm4b:s3+s26], $0xFA0, $0x38;
	[tilespmem:$0xFB00] =	vst v63  }
0x7c: {  	s0 =	sadd.s32 @!p1 s2, s0;
	s3 =	simm.s32 @!p1 $0xBC00  }
0x7d: {  	[tilespmem:s3], [sflag:$0x1] =	stream.linear.gather @!p1 [hbm4b:s0+s26], $0xFA0, $0x38;
	[tilespmem:$0xFB00] =	vst v63  }
0x7e: {  	_ =	swait.ge [sflag:s20], $0xFA0  }
0x7f: {  	[sflag:s20] =	ssyncset.done $0x0  }
0x80: {  	[sflag:s20] =	ssyncadd.s32 $0xFFFFF060  }
0x81: {  	_ =	swait.ge [sflag:s20], $0xFA0  }
0x82: {  	[sflag:s20] =	ssyncset.done $0x0  }
0x83: {  	s0 =	simm.s32 @!p0 $0x4;
	[sflag:s20] =	ssyncadd.s32 $0xFFFFF060  }
0x84: {  	_ =	swait.ge @!p0 [sflag:s0], $0xFA0  }
0x85: {  	[sflag:s0] =	ssyncset.done @!p0 $0x0  }
0x86: {  	s26 =	simm.s32 $0xCBB0;
	[sflag:s0] =	ssyncadd.s32 @!p0 $0xFFFFF060  }
0x87: {  	v0 =	vld [tilespmem:s26+$0x0]  }
0x88: {  	s31 =	simm.s32 $0xAC30  }
0x89: {  	v1 =	vld [tilespmem:s31+$0x0]  }
0x8a: {  	v2 =	vld [tilespmem:s26+$0xFFFFFFF0];
	_ =	sdelay $0x1  }
0x8b: {  	v3 =	vld [tilespmem:s31+$0xFFFFFFF0];
	v4 =	vmul.f32 $1.000000000e+01, v0;
	_ =	sdelay $0x1  }
0x8c: {  	v1 =	vmul.f32 $1.000000000e+02, v1;
	v5 =	vadd.f32 $8.388607500e+06, v4  }
0x8d: {  	v2 =	vmul.f32 $1.000000000e+01, v2  }
0x8e: {  	s3 =	simm.s32 $0xCBD0;
	v6 =	vadd.f32 $8.388607500e+06, v1;
	v0 =	vmul.u32 $0x64, v5  }
0x8f: {  	v10 =	vld [tilespmem:s3+$0x0];
	v3 =	vmul.f32 $1.000000000e+02, v3;
	v7 =	vadd.f32 $8.388607500e+06, v2  }
0x90: {  	v12 =	vld [tilespmem:s3+$0xFFFFFFF0];
	s26 =	simm.s32 $0xAC50;
	v0 =	vadd.s32 v0, v6  }
0x91: {  	v14 =	vld [tilespmem:s26+$0xFFFFFFF0];
	v8 =	vadd.f32 $8.388607500e+06, v3;
	v9 =	vmul.u32 $0x64, v7;
	v11 =	vadd.s32 $0x69000000, v0;
	_ =	sdelay $0x1  }
0x92: {  	v0 =	vadd.s32 v9, v8;
	v9 =	vld [tilespmem:s26+$0x0]  }
0x93: {  	s31 =	simm.s32 $0xCBF0  }
0x94: {  	v24 =	vld [tilespmem:s31+$0x0];
	v12 =	vmul.f32 $1.000000000e+01, v12;
	v13 =	vadd.s32 $0x69000000, v0  }
0x95: {  	v14 =	vmul.f32 $1.000000000e+02, v14;
	v8 =	vadd.f32 $-8.388608000e+06, v8;
	v0 =	vmul.f32 $1.000000000e+01, v10;
	v10 =	vld.idx.msk [tilespmem:v11+s18+$0x0], $0xffff  }
0x96: {  	v18 =	vadd.f32 $8.388607500e+06, v12;
	v7 =	vadd.f32 $-8.388608000e+06, v7;
	v15 =	vld.idx.msk [tilespmem:v11+s16+$0x0], $0xffff  }
0x97: {  	v8 =	vsub.f32 v3, v8;
	v3 =	vadd.f32 $8.388607500e+06, v14;
	v17 =	vmul.f32 $1.000000000e+02, v9;
	v9 =	vld.idx.msk [tilespmem:v11+s17+$0x0], $0xffff  }
0x98: {  	v6 =	vadd.f32 $-8.388608000e+06, v6;
	v22 =	vadd.f32 $8.388607500e+06, v0;
	v11 =	vld.idx.msk [tilespmem:v11+s5+$0x0], $0xffff  }
0x99: {  	v21 =	vmul.u32 $0x64, v18;
	v7 =	vsub.f32 v2, v7;
	v2 =	vadd.f32 $-8.388608000e+06, v3;
	v16 =	vld.idx.msk [tilespmem:v13+s18+$0x0], $0xffff  }
0x9a: {  	s29 =	simm.s32 $0xAC70;
	v1 =	vsub.f32 v1, v6;
	v20 =	vmul.u32 $0x64, v22;
	v6 =	vld.idx.msk [tilespmem:v13+s16+$0x0], $0xffff;
	v19 =	vadd.f32 $8.388607500e+06, v17  }
0x9b: {  	v5 =	vadd.f32 $-8.388608000e+06, v5;
	v3 =	vadd.s32 v21, v3;
	v2 =	vsub.f32 v14, v2;
	v14 =	vld [tilespmem:s29+$0xFFFFFFF0]  }
0x9c: {  	v3 =	vadd.s32 $0x69000000, v3;
	v23 =	vld.idx.msk [tilespmem:v13+s17+$0x0], $0xffff;
	v20 =	vadd.s32 v20, v19;
	v10 =	vmul.f32 v1, v10  }
0x9d: {  	v25 =	vadd.s32 $0x69000000, v20;
	v20 =	vld [tilespmem:s31+$0xFFFFFFF0]  }
0x9e: {  	v4 =	vsub.f32 v4, v5;
	v5 =	vadd.f32 v10, v9;
	v9 =	vld [tilespmem:s29+$0x0]  }
0x9f: {  	v19 =	vadd.f32 $-8.388608000e+06, v19;
	v1 =	vmul.f32 v1, v15;
	v15 =	vmul.f32 v8, v16  }
0xa0: {  	v14 =	vmul.f32 $1.000000000e+02, v14;
	v10 =	vadd.f32 $-8.388608000e+06, v18;
	v16 =	vmul.f32 v5, v4;
	v4 =	vld.idx.msk [tilespmem:v13+s5+$0x0], $0xffff  }
0xa1: {  	v11 =	vadd.f32 v1, v11;
	v5 =	vmul.f32 v8, v6;
	v8 =	vmul.f32 $1.000000000e+01, v24;
	v13 =	vld.idx.msk [tilespmem:v3+s18+$0x0], $0xffff  }
0xa2: {  	v15 =	vadd.f32 v15, v23;
	v1 =	vsub.f32 v12, v10;
	v26 =	vld.idx.msk [tilespmem:v25+s18+$0x0], $0xffff;
	v10 =	vmul.f32 $1.000000000e+01, v20  }
0xa3: {  	v21 =	vadd.f32 $8.388607500e+06, v14;
	v12 =	vld.idx.msk [tilespmem:v25+s16+$0x0], $0xffff;
	v6 =	vadd.f32 $8.388607500e+06, v8;
	v9 =	vmul.f32 $1.000000000e+02, v9  }
0xa4: {  	v18 =	vadd.f32 v16, v11;
	v16 =	vld.idx.msk [tilespmem:v25+s17+$0x0], $0xffff;
	v23 =	vadd.f32 $8.388607500e+06, v10  }
0xa5: {  	v20 =	vsub.f32 v17, v19;
	v17 =	vld.idx.msk [tilespmem:v25+s5+$0x0], $0xffff;
	v27 =	vmul.u32 $0x64, v6;
	v11 =	vadd.f32 $8.388607500e+06, v9  }
0xa6: {  	s26 =	simm.s32 $0xEB30;
	v7 =	vmul.f32 v15, v7;
	v15 =	vld.idx.msk [tilespmem:v3+s16+$0x0], $0xffff;
	v19 =	vadd.f32 $-8.388608000e+06, v23;
	v24 =	vmul.u32 $0x64, v23  }
0xa7: {  	s30 =	simm.s32 $0xEB30;
	s0 =	simm.s32 $0xCC10;
	s3 =	simm.s32 $0x4;
	[tilespmem:s26+$0x0] =	vst v18;
	v18 =	vld.idx.msk [tilespmem:v3+s17+$0x0], $0xffff;
	v23 =	vadd.f32 $-8.388608000e+06, v22;
	v22 =	vmul.f32 v20, v26;
	v25 =	vadd.s32 v27, v11  }
.LBB2_6:
0xa8: {  	v26 =	vld [tilespmem:s0+$0x0];
	s3 =	sadd.s32 $0x2, s3;
	v27 =	vadd.f32 $-8.388608000e+06, v21;
	v21 =	vadd.s32 v24, v21;
	v24 =	vadd.s32 $0x69000000, v25  }
0xa9: {  	s29 =	sadd.s32 $0x20, s29;
	v12 =	vmul.f32 v20, v12;
	v25 =	vld [tilespmem:s0+$0xFFFFFFF0];
	p0 =	slt.u32 s3, $0xF8;
	v23 =	vsub.f32 v0, v23;
	v16 =	vadd.f32 v22, v16;
	v0 =	vmovc v8  }
0xaa: {  	v21 =	vadd.s32 $0x69000000, v21;
	v13 =	vmul.f32 v2, v13;
	v20 =	vld [tilespmem:s29+$0x0];
	v8 =	vsub.f32 v14, v27  }
0xab: {  	v19 =	vsub.f32 v10, v19;
	v10 =	vadd.f32 v12, v17;
	v14 =	vld [tilespmem:s29+$0xFFFFFFF0];
	v12 =	vmul.f32 v16, v23  }
0xac: {  	v16 =	vadd.f32 v5, v4;
	v5 =	vmul.f32 v2, v15;
	v4 =	vld.idx.msk [tilespmem:v3+s5+$0x0], $0xffff;
	v2 =	vmovc v8;
	v3 =	vmov v21  }
0xad: {  	v15 =	vadd.f32 v13, v18;
	v8 =	vmul.f32 $1.000000000e+01, v26;
	v22 =	vld.idx.msk [tilespmem:v24+s18+$0x0], $0xffff;
	v13 =	vadd.f32 v12, v10  }
0xae: {  	s26 =	sadd.s32 $0x20, s26;
	v17 =	vadd.f32 v7, v16;
	v10 =	vmul.f32 $1.000000000e+01, v25;
	v12 =	vld.idx.msk [tilespmem:v24+s16+$0x0], $0xffff  }
.Ltmp6:
0xaf: {  	v18 =	vmul.f32 $1.000000000e+02, v20;
	v26 =	vadd.f32 $8.388607500e+06, v8;
	v20 =	vadd.f32 $-8.388608000e+06, v11;
	v16 =	vld.idx.msk [tilespmem:v24+s17+$0x0], $0xffff;
	[tilespmem:s26+$0x0] =	vst v13;
	(pc) =	sbr.rel @p0 .LBB2_6-.Ltmp6, $4  }
0xb0: {  	v7 =	vmul.f32 v15, v1;
	v1 =	vmovc v19;
	v14 =	vmul.f32 $1.000000000e+02, v14;
	v23 =	vadd.f32 $8.388607500e+06, v10;
	v13 =	vld.idx.msk [tilespmem:v21+s18+$0x0], $0xffff;
	[tilespmem:s30+$0xFFFFFFF0] =	vst v17;
	s30 =	smov.u32 s26  }
0xb1: {  	v11 =	vadd.f32 $8.388607500e+06, v18;
	v25 =	vmul.u32 $0x64, v26;
	v20 =	vsub.f32 v9, v20;
	v17 =	vld.idx.msk [tilespmem:v24+s5+$0x0], $0xffff;
	v9 =	vmovc v18  }
0xb2: {  	v21 =	vadd.f32 $8.388607500e+06, v14;
	v19 =	vadd.f32 $-8.388608000e+06, v23;
	v24 =	vmul.u32 $0x64, v23;
	v15 =	vld.idx.msk [tilespmem:v3+s16+$0x0], $0xffff  }
0xb3: {  	s0 =	sadd.s32 $0x20, s0;
	v23 =	vadd.f32 $-8.388608000e+06, v6;
	v6 =	vmovc v26;
	v25 =	vadd.s32 v25, v11;
	v18 =	vld.idx.msk [tilespmem:v3+s17+$0x0], $0xffff;
	v22 =	vmul.f32 v20, v22  }
0xb4: {  	v25 =	vadd.s32 $0x69000000, v25;
	_ =	sdelay $0x1  }
0xb5: {  	v24 =	vadd.s32 v24, v21  }
0xb6: {  	v24 =	vadd.s32 $0x69000000, v24  }
0xb7: {  	v3 =	vld.idx.msk [tilespmem:v3+s5+$0x0], $0xffff  }
0xb8: {  	v26 =	vld.idx.msk [tilespmem:v25+s18+$0x0], $0xffff  }
0xb9: {  	v48 =	vadd.f32 $-8.388608000e+06, v21;
	v27 =	vld.idx.msk [tilespmem:v25+s16+$0x0], $0xffff  }
0xba: {  	v11 =	vadd.f32 $-8.388608000e+06, v11;
	v10 =	vsub.f32 v10, v19;
	v28 =	vld.idx.msk [tilespmem:v25+s17+$0x0], $0xffff  }
0xbb: {  	v6 =	vadd.f32 $-8.388608000e+06, v6;
	v4 =	vadd.f32 v5, v4;
	v29 =	vld.idx.msk [tilespmem:v24+s18+$0x0], $0xffff  }
0xbc: {  	v12 =	vmul.f32 v20, v12;
	v0 =	vsub.f32 v0, v23;
	v16 =	vadd.f32 v22, v16;
	v50 =	vld.idx.msk [tilespmem:v24+s16+$0x0], $0xffff  }
0xbd: {  	v14 =	vsub.f32 v14, v48;
	v9 =	vsub.f32 v9, v11;
	v51 =	vld.idx.msk [tilespmem:v24+s17+$0x0], $0xffff  }
0xbe: {  	v13 =	vmul.f32 v2, v13;
	v12 =	vadd.f32 v12, v17;
	v6 =	vsub.f32 v8, v6;
	v49 =	vld.idx.msk [tilespmem:v25+s5+$0x0], $0xffff  }
0xbf: {  	v4 =	vadd.f32 v7, v4;
	v57 =	vmul.f32 v2, v15;
	v54 =	vld.idx.msk [tilespmem:v24+s5+$0x0], $0xffff;
	v52 =	vmul.f32 v9, v26  }
0xc0: {  	v0 =	vmul.f32 v16, v0;
	v53 =	vadd.f32 v13, v18;
	v56 =	vmul.f32 v14, v29  }
0xc1: {  	v2 =	vadd.f32 v57, v3;
	v9 =	vmul.f32 v9, v27;
	v55 =	vadd.f32 v52, v28  }
0xc2: {  	v1 =	vmul.f32 v53, v1;
	v58 =	vmul.f32 v14, v50;
	v59 =	vadd.f32 v56, v51  }
0xc3: {  	v0 =	vadd.f32 v0, v12;
	v9 =	vadd.f32 v9, v49;
	v6 =	vmul.f32 v55, v6  }
0xc4: {  	s0 =	sadd.s32 $0x20, s26;
	[tilespmem:s30+$0xFFFFFFF0] =	vst v4;
	v1 =	vadd.f32 v1, v2;
	v62 =	vadd.f32 v58, v54;
	v61 =	vmul.f32 v59, v10  }
.Ltmp7:
0xc5: {  	[tilespmem:s0+$0x0] =	vst v0;
	v60 =	vadd.f32 v6, v9;
	(pc) =	sbr.rel .LBB2_8-.Ltmp7, $4  }
0xc6: {  	s3 =	sadd.s32 $0x20, s0;
	s30 =	smul.u32 $0x1F4, s28;
	[tilespmem:s0+$0xFFFFFFF0] =	vst v1;
	v63 =	vadd.f32 v61, v62  }
0xc7: {  	[tilespmem:s3+$0x0] =	vst v60  }
0xc8: {  	s31 =	sadd.s32 s4, s30;
	[tilespmem:s3+$0xFFFFFFF0] =	vst v63  }
0xc9: {  	[hbm4b:s31+s5] =	stream.linear.scatter [tilespmem:s21], [sflag:$0x4], $0xFA0, $0x38;
	[tilespmem:$0xFB00] =	vst v63  }
.LBB2_10:
0xca: {  	_ =	sfence.sel $0x180000  }
0xcb: {  	[bflag:$0x0] =	sbarrier.arrive $0xFFFF  }
0xcc: {  	_ =	strace $0x90000047  }
0xcd: {  	s0 =	stileid.u32;
	[bflag:$0x2] =	sbarrier.arrive $0xFFFF  }
0xce: {  	p0 =	sne.s32 s0, $0x0;
	s0 =	rddreg [dreg:$0x4]  }
0xcf: {  	s0 =	sadd.s32 @!p0 $0x100000, s0  }
0xd0: {  	[sflag:s0] =	ssyncadd.tile.s32 @!p0 $0x1;
	_ =	shalt  }
.Lfunc_end2:
_tile_overlayer_lowered:
.L_overlay_start_2:
0xd1: {  	(tag) =	ssettag $0x2  }
0xd2: {  	s0 =	rddreg [dreg:$0x0];
	s2 =	stileid.u32  }
0xd3: {  	s1 =	rddreg [dreg:$0x1];
	p0 =	sne.s32 s2, $0x0  }
0xd4: {  	s3 =	rddreg [dreg:$0x2];
	[bflag:$0x3] =	sbarrier.arrive $0xFFFF;
	s2 =	simm.s32 @!p0 $0x1C06  }
0xd5: {  	[timem:s3], [sflag:s2] =	dma.local @!p0 [hbm:s0], s1  }
0xd6: {  	s0 =	simm.s32 @!p0 $0x6  }
0xd7: {  	_ =	swait.ge @!p0 [sflag:s0], s1  }
0xd8: {  	s1 =	ssub.s32 @!p0 $0x0, s1;
	[sflag:s0] =	ssyncset.done @!p0 $0x0  }
0xd9: {  	[sflag:s0] =	ssyncadd.s32 @!p0 s1  }
0xda: {  	[bflag:$0x3] =	sbarrier.arrive $0xFFFF  }
0xdb: {  	_ =	shalt  }

</sc_bundles>
